<compile_context>
chip_gen: v7x
topology: tpu7x:2x2x1
jax: 0.10.2.dev20260603
libtpu: 0.0.44.dev20260713+nightly
codegen_flags: <defaults>
</compile_context>

<pallas_src>
import functools

import jax
import jax.numpy as jnp
from jax import lax
from jax.experimental import pallas as pl
from jax.experimental.pallas import tpu as pltpu
from jax.experimental.pallas import tpu_sc as plsc

_K = 8192
_D = 256
_MBLK = 512
_NCHUNK = 128


def _argmin_body(x_ref, e_ref, idx_ref, coln_ref):
    @pl.when(pl.program_id(0) == 0)
    def _():
        coln_ref[...] = jnp.sum(jnp.square(e_ref[...]), axis=0, keepdims=True)

    xb = x_ref[...]
    rown = jnp.sum(jnp.square(xb), axis=-1, keepdims=True)
    mm2 = jnp.dot(xb + xb, e_ref[...])
    accv = jnp.full((_MBLK, _NCHUNK), jnp.inf, jnp.float32)
    acct = jnp.zeros((_MBLK, _NCHUNK), jnp.int32)
    for j in range(_K // _NCHUNK):
        lo, hi = j * _NCHUNK, (j + 1) * _NCHUNK
        d = (rown + coln_ref[:, lo:hi]) - mm2[:, lo:hi]
        upd = d < accv
        accv = jnp.where(upd, d, accv)
        acct = jnp.where(upd, j, acct)
    lane = lax.broadcasted_iota(jnp.int32, (_MBLK, _NCHUNK), 1)
    idx128 = acct * _NCHUNK + lane
    tmin = jnp.min(accv, axis=1, keepdims=True)
    idx_ref[...] = jnp.min(
        jnp.where(accv == tmin, idx128, jnp.int32(2**31 - 1)),
        axis=1, keepdims=True)


def _argmin_call(xf, emb):
    n = xf.shape[0]
    nblk = n // _MBLK
    return pl.pallas_call(
        _argmin_body,
        grid=(nblk,),
        in_specs=[
            pl.BlockSpec((_MBLK, _D), lambda m: (m, 0)),
            pl.BlockSpec((_D, _K), lambda m: (0, 0)),
        ],
        out_specs=pl.BlockSpec((_MBLK, 1), lambda m: (m, 0)),
        out_shape=jax.ShapeDtypeStruct((n, 1), jnp.int32),
        scratch_shapes=[pltpu.VMEM((1, _K), jnp.float32)],
    )(xf, emb)


def _gather_call(table, idx):
    info = plsc.get_sparse_core_info()
    nc, ns = info.num_cores, info.num_subcores
    nw = nc * ns
    b = idx.shape[0]
    ch = 128
    n_ch = b // (nw * ch)
    idx2 = idx.reshape(nw * n_ch, ch)
    mesh = plsc.VectorSubcoreMesh(core_axis_name="c", subcore_axis_name="s")

    @functools.partial(
        pl.kernel, mesh=mesh,
        out_type=jax.ShapeDtypeStruct((b, _D), jnp.float32),
        scratch_types=[
            pltpu.VMEM((n_ch, ch), jnp.int32),
            pltpu.VMEM((ch, _D), jnp.float32),
            pltpu.SemaphoreType.DMA,
        ],
    )
    def k(table_hbm, idx_hbm, out_hbm, idx_v, rows_v, sem):
        wid = lax.axis_index("s") * nc + lax.axis_index("c")
        pltpu.sync_copy(idx_hbm.at[pl.ds(wid * n_ch, n_ch)], idx_v)
        for c in range(n_ch):
            pltpu.async_copy(table_hbm.at[idx_v.at[c]], rows_v, sem).wait()
            pltpu.sync_copy(rows_v, out_hbm.at[pl.ds((wid * n_ch + c) * ch, ch)])

    return k(table, idx2)


def kernel(x, embeddings):
    xf = x.reshape(-1, x.shape[-1])
    idx = _argmin_call(xf, embeddings)[:, 0]
    quant = _gather_call(embeddings.T, idx)
    return quant.reshape(x.shape)

# --- scband reference (transcript-rebuilt; emitter-appended) ---
"""Pipeline reference for scband-vector-quantizer-ema-47132971106722 (READ-ONLY COPY).

The authoritative reference and input builder live on the scoring server;
editing this copy changes nothing except your own understanding.
"""

import jax, jax.numpy as jnp
import numpy as np

NUM_EMBEDDINGS = 8192
EMBEDDING_DIM = 256
BATCH = 32
TOKENS = 1024


def setup_inputs(seed: int = 0) -> dict:
    key = jax.random.key(seed)
    k1, k2 = jax.random.split(key)
    x = jax.random.normal(k1, (BATCH, TOKENS, EMBEDDING_DIM), dtype=jnp.float32)
    # lecun_uniform init applied to embeddings.T of shape (K, D): fan_in = D
    limit = float(np.sqrt(3.0 / EMBEDDING_DIM))
    embeddings = jax.random.uniform(
        k2, (EMBEDDING_DIM, NUM_EMBEDDINGS), minval=-limit, maxval=limit, dtype=jnp.float32
    )
    return {"x": x, "embeddings": embeddings}


def reference(x, embeddings):
    # encode: nearest-neighbor search via expanded squared L2 distance
    x_flatten = x.reshape(-1, x.shape[-1])
    dis = (
        jnp.sum(jnp.square(x_flatten), axis=-1, keepdims=True)
        + jnp.sum(jnp.square(embeddings), axis=0, keepdims=True)
        - 2.0 * x_flatten @ embeddings
    )
    indices = jnp.argmin(dis, axis=-1).reshape(x.shape[:-1])
    # decode: embedding lookup from codebook (embeddings stored as [D, K])
    quantized = jnp.take(embeddings.T, indices, axis=0)
    return quantized

if __name__ == "__main__":
    import jax
    _d = setup_inputs()
    print(jax.jit(kernel)(*tuple(_d.values())))

</pallas_src>

<mosaic_0001>
#map = affine_map<(d0, d1) -> (0, 0)>
module attributes {stable_mosaic.version = 14 : i64} {
  func.func @k(%arg0: i32, %arg1: i32, %arg2: memref<8192x256xf32, #tpu.memory_space<hbm>>, %arg3: memref<256x128xi32, #tpu.memory_space<hbm>>, %arg4: memref<32768x256xf32, #tpu.memory_space<hbm>>, %arg5: memref<8x128xi32, #tpu.memory_space<vmem>>, %arg6: memref<128x256xf32, #tpu.memory_space<vmem>>, %arg7: memref<!tpu.dma_semaphore, #tpu.memory_space<semaphore_mem>>) attributes {dimension_semantics = [#tpu.dimension_semantics<core_parallel>, #tpu.dimension_semantics<subcore_parallel>], iteration_bounds = array<i64: 2, 16>, scalar_prefetch = 0 : i64, scratch_operands = 3 : i64, tpu.core_type = #tpu.core_type<sc_vector_subcore>, window_params = [{transform_indices = #map}, {transform_indices = #map}, {transform_indices = #map}]} {
    %mul3A = arith.constant 2 : i32
    %mul3A_0 = arith.muli %arg1, %mul3A : i32
    %add3A = arith.addi %mul3A_0, %arg0 : i32
    %mul3A_1 = arith.constant 8 : i32
    %mul3A_2 = arith.muli %add3A, %mul3A_1 : i32
    "tpu.region"() ({
      %run_scoped3A = tpu.sem_alloc : memref<!tpu.dma_semaphore, #tpu.memory_space<semaphore_mem>>
      %dma_start3A_161 = arith.constant 0 : i32
      %dma_start3A_162 = tpu.memref_slice %arg3[%mul3A_2, %dma_start3A_161] : memref<256x128xi32, #tpu.memory_space<hbm>> -> memref<8x128xi32, #tpu.memory_space<hbm>>
      %dma_start3A_163 = arith.constant 0 : i32
      %dma_start3A_164 = tpu.memref_slice %arg3[%mul3A_2, %dma_start3A_163] : memref<256x128xi32, #tpu.memory_space<hbm>> -> memref<8x128xi32, #tpu.memory_space<hbm>>
      tpu.enqueue_dma source(%dma_start3A_164 : memref<8x128xi32, #tpu.memory_space<hbm>>) target(%arg5 : memref<8x128xi32, #tpu.memory_space<vmem>>) target_semaphore(%run_scoped3A : memref<!tpu.dma_semaphore, #tpu.memory_space<semaphore_mem>>)
      %dma_wait3A_165 = arith.constant 0 : i32
      %dma_wait3A_166 = tpu.memref_slice %arg3[%mul3A_2, %dma_wait3A_165] : memref<256x128xi32, #tpu.memory_space<hbm>> -> memref<8x128xi32, #tpu.memory_space<hbm>>
      %dma_wait3A_167 = arith.constant 0 : i32
      %dma_wait3A_168 = tpu.memref_slice %arg3[%mul3A_2, %dma_wait3A_167] : memref<256x128xi32, #tpu.memory_space<hbm>> -> memref<8x128xi32, #tpu.memory_space<hbm>>
      tpu.wait_dma2 semaphore(%run_scoped3A : memref<!tpu.dma_semaphore, #tpu.memory_space<semaphore_mem>>) src(%dma_wait3A_168 : memref<8x128xi32, #tpu.memory_space<hbm>>) dst(%arg5 : memref<8x128xi32, #tpu.memory_space<vmem>>)
      tpu.yield
    }) : () -> ()
    %dma_start3A = arith.constant 0 : i32
    %dma_start3A_3 = arith.constant 0 : i32
    %dma_start3A_4 = tpu.memref_slice %arg5[%dma_start3A, %dma_start3A_3] : memref<8x128xi32, #tpu.memory_space<vmem>> -> memref<1x128xi32, #tpu.memory_space<vmem>>
    %dma_start3A_5 = tpu.memref_squeeze %dma_start3A_4 : memref<1x128xi32, #tpu.memory_space<vmem>> -> memref<128xi32, #tpu.memory_space<vmem>>
    %dma_start3A_6 = arith.constant 0 : i32
    %dma_start3A_7 = arith.constant 0 : i32
    %dma_start3A_8 = tpu.memref_slice %arg2[%dma_start3A_6, %dma_start3A_7] : memref<8192x256xf32, #tpu.memory_space<hbm>> -> memref<8192x256xf32, #tpu.memory_space<hbm>>
    tpu.enqueue_indirect_dma source(%dma_start3A_8 : memref<8192x256xf32, #tpu.memory_space<hbm>>) target(%arg6 : memref<128x256xf32, #tpu.memory_space<vmem>>) offsets(%dma_start3A_5 : memref<128xi32, #tpu.memory_space<vmem>>) semaphore(%arg7 : memref<!tpu.dma_semaphore, #tpu.memory_space<semaphore_mem>>)
    %dma_wait3A = arith.constant 0 : i32
    %dma_wait3A_9 = arith.constant 0 : i32
    %dma_wait3A_10 = tpu.memref_slice %arg5[%dma_wait3A, %dma_wait3A_9] : memref<8x128xi32, #tpu.memory_space<vmem>> -> memref<1x128xi32, #tpu.memory_space<vmem>>
    %dma_wait3A_11 = tpu.memref_squeeze %dma_wait3A_10 : memref<1x128xi32, #tpu.memory_space<vmem>> -> memref<128xi32, #tpu.memory_space<vmem>>
    %dma_wait3A_12 = arith.constant 0 : i32
    %dma_wait3A_13 = arith.constant 0 : i32
    %dma_wait3A_14 = tpu.memref_slice %arg2[%dma_wait3A_12, %dma_wait3A_13] : memref<8192x256xf32, #tpu.memory_space<hbm>> -> memref<8192x256xf32, #tpu.memory_space<hbm>>
    tpu.wait_indirect_dma semaphore(%arg7 : memref<!tpu.dma_semaphore, #tpu.memory_space<semaphore_mem>>) src(%dma_wait3A_14 : memref<8192x256xf32, #tpu.memory_space<hbm>>) dst(%arg6 : memref<128x256xf32, #tpu.memory_space<vmem>>)
    %mul3A_15 = arith.constant 8 : i32
    %mul3A_16 = arith.muli %add3A, %mul3A_15 : i32
    %add3A_17 = arith.constant 0 : i32
    %add3A_18 = arith.addi %mul3A_16, %add3A_17 : i32
    %mul3A_19 = arith.constant 128 : i32
    %mul3A_20 = arith.muli %add3A_18, %mul3A_19 : i32
    "tpu.region"() ({
      %run_scoped3A = tpu.sem_alloc : memref<!tpu.dma_semaphore, #tpu.memory_space<semaphore_mem>>
      %dma_start3A_161 = arith.constant 0 : i32
      %dma_start3A_162 = tpu.memref_slice %arg4[%mul3A_20, %dma_start3A_161] : memref<32768x256xf32, #tpu.memory_space<hbm>> -> memref<128x256xf32, #tpu.memory_space<hbm>>
      %dma_start3A_163 = arith.constant 0 : i32
      %dma_start3A_164 = tpu.memref_slice %arg4[%mul3A_20, %dma_start3A_163] : memref<32768x256xf32, #tpu.memory_space<hbm>> -> memref<128x256xf32, #tpu.memory_space<hbm>>
      tpu.enqueue_dma source(%arg6 : memref<128x256xf32, #tpu.memory_space<vmem>>) target(%dma_start3A_164 : memref<128x256xf32, #tpu.memory_space<hbm>>) target_semaphore(%run_scoped3A : memref<!tpu.dma_semaphore, #tpu.memory_space<semaphore_mem>>)
      %dma_wait3A_165 = arith.constant 0 : i32
      %dma_wait3A_166 = tpu.memref_slice %arg4[%mul3A_20, %dma_wait3A_165] : memref<32768x256xf32, #tpu.memory_space<hbm>> -> memref<128x256xf32, #tpu.memory_space<hbm>>
      %dma_wait3A_167 = arith.constant 0 : i32
      %dma_wait3A_168 = tpu.memref_slice %arg4[%mul3A_20, %dma_wait3A_167] : memref<32768x256xf32, #tpu.memory_space<hbm>> -> memref<128x256xf32, #tpu.memory_space<hbm>>
      tpu.wait_dma2 semaphore(%run_scoped3A : memref<!tpu.dma_semaphore, #tpu.memory_space<semaphore_mem>>) src(%arg6 : memref<128x256xf32, #tpu.memory_space<vmem>>) dst(%dma_wait3A_168 : memref<128x256xf32, #tpu.memory_space<hbm>>)
      tpu.yield
    }) : () -> ()
    %dma_start3A_21 = arith.constant 1 : i32
    %dma_start3A_22 = arith.constant 0 : i32
    %dma_start3A_23 = tpu.memref_slice %arg5[%dma_start3A_21, %dma_start3A_22] : memref<8x128xi32, #tpu.memory_space<vmem>> -> memref<1x128xi32, #tpu.memory_space<vmem>>
    %dma_start3A_24 = tpu.memref_squeeze %dma_start3A_23 : memref<1x128xi32, #tpu.memory_space<vmem>> -> memref<128xi32, #tpu.memory_space<vmem>>
    %dma_start3A_25 = arith.constant 0 : i32
    %dma_start3A_26 = arith.constant 0 : i32
    %dma_start3A_27 = tpu.memref_slice %arg2[%dma_start3A_25, %dma_start3A_26] : memref<8192x256xf32, #tpu.memory_space<hbm>> -> memref<8192x256xf32, #tpu.memory_space<hbm>>
    tpu.enqueue_indirect_dma source(%dma_start3A_27 : memref<8192x256xf32, #tpu.memory_space<hbm>>) target(%arg6 : memref<128x256xf32, #tpu.memory_space<vmem>>) offsets(%dma_start3A_24 : memref<128xi32, #tpu.memory_space<vmem>>) semaphore(%arg7 : memref<!tpu.dma_semaphore, #tpu.memory_space<semaphore_mem>>)
    %dma_wait3A_28 = arith.constant 1 : i32
    %dma_wait3A_29 = arith.constant 0 : i32
    %dma_wait3A_30 = tpu.memref_slice %arg5[%dma_wait3A_28, %dma_wait3A_29] : memref<8x128xi32, #tpu.memory_space<vmem>> -> memref<1x128xi32, #tpu.memory_space<vmem>>
    %dma_wait3A_31 = tpu.memref_squeeze %dma_wait3A_30 : memref<1x128xi32, #tpu.memory_space<vmem>> -> memref<128xi32, #tpu.memory_space<vmem>>
    %dma_wait3A_32 = arith.constant 0 : i32
    %dma_wait3A_33 = arith.constant 0 : i32
    %dma_wait3A_34 = tpu.memref_slice %arg2[%dma_wait3A_32, %dma_wait3A_33] : memref<8192x256xf32, #tpu.memory_space<hbm>> -> memref<8192x256xf32, #tpu.memory_space<hbm>>
    tpu.wait_indirect_dma semaphore(%arg7 : memref<!tpu.dma_semaphore, #tpu.memory_space<semaphore_mem>>) src(%dma_wait3A_34 : memref<8192x256xf32, #tpu.memory_space<hbm>>) dst(%arg6 : memref<128x256xf32, #tpu.memory_space<vmem>>)
    %mul3A_35 = arith.constant 8 : i32
    %mul3A_36 = arith.muli %add3A, %mul3A_35 : i32
    %add3A_37 = arith.constant 1 : i32
    %add3A_38 = arith.addi %mul3A_36, %add3A_37 : i32
    %mul3A_39 = arith.constant 128 : i32
    %mul3A_40 = arith.muli %add3A_38, %mul3A_39 : i32
    "tpu.region"() ({
      %run_scoped3A = tpu.sem_alloc : memref<!tpu.dma_semaphore, #tpu.memory_space<semaphore_mem>>
      %dma_start3A_161 = arith.constant 0 : i32
      %dma_start3A_162 = tpu.memref_slice %arg4[%mul3A_40, %dma_start3A_161] : memref<32768x256xf32, #tpu.memory_space<hbm>> -> memref<128x256xf32, #tpu.memory_space<hbm>>
      %dma_start3A_163 = arith.constant 0 : i32
      %dma_start3A_164 = tpu.memref_slice %arg4[%mul3A_40, %dma_start3A_163] : memref<32768x256xf32, #tpu.memory_space<hbm>> -> memref<128x256xf32, #tpu.memory_space<hbm>>
      tpu.enqueue_dma source(%arg6 : memref<128x256xf32, #tpu.memory_space<vmem>>) target(%dma_start3A_164 : memref<128x256xf32, #tpu.memory_space<hbm>>) target_semaphore(%run_scoped3A : memref<!tpu.dma_semaphore, #tpu.memory_space<semaphore_mem>>)
      %dma_wait3A_165 = arith.constant 0 : i32
      %dma_wait3A_166 = tpu.memref_slice %arg4[%mul3A_40, %dma_wait3A_165] : memref<32768x256xf32, #tpu.memory_space<hbm>> -> memref<128x256xf32, #tpu.memory_space<hbm>>
      %dma_wait3A_167 = arith.constant 0 : i32
      %dma_wait3A_168 = tpu.memref_slice %arg4[%mul3A_40, %dma_wait3A_167] : memref<32768x256xf32, #tpu.memory_space<hbm>> -> memref<128x256xf32, #tpu.memory_space<hbm>>
      tpu.wait_dma2 semaphore(%run_scoped3A : memref<!tpu.dma_semaphore, #tpu.memory_space<semaphore_mem>>) src(%arg6 : memref<128x256xf32, #tpu.memory_space<vmem>>) dst(%dma_wait3A_168 : memref<128x256xf32, #tpu.memory_space<hbm>>)
      tpu.yield
    }) : () -> ()
    %dma_start3A_41 = arith.constant 2 : i32
    %dma_start3A_42 = arith.constant 0 : i32
    %dma_start3A_43 = tpu.memref_slice %arg5[%dma_start3A_41, %dma_start3A_42] : memref<8x128xi32, #tpu.memory_space<vmem>> -> memref<1x128xi32, #tpu.memory_space<vmem>>
    %dma_start3A_44 = tpu.memref_squeeze %dma_start3A_43 : memref<1x128xi32, #tpu.memory_space<vmem>> -> memref<128xi32, #tpu.memory_space<vmem>>
    %dma_start3A_45 = arith.constant 0 : i32
    %dma_start3A_46 = arith.constant 0 : i32
    %dma_start3A_47 = tpu.memref_slice %arg2[%dma_start3A_45, %dma_start3A_46] : memref<8192x256xf32, #tpu.memory_space<hbm>> -> memref<8192x256xf32, #tpu.memory_space<hbm>>
    tpu.enqueue_indirect_dma source(%dma_start3A_47 : memref<8192x256xf32, #tpu.memory_space<hbm>>) target(%arg6 : memref<128x256xf32, #tpu.memory_space<vmem>>) offsets(%dma_start3A_44 : memref<128xi32, #tpu.memory_space<vmem>>) semaphore(%arg7 : memref<!tpu.dma_semaphore, #tpu.memory_space<semaphore_mem>>)
    %dma_wait3A_48 = arith.constant 2 : i32
    %dma_wait3A_49 = arith.constant 0 : i32
    %dma_wait3A_50 = tpu.memref_slice %arg5[%dma_wait3A_48, %dma_wait3A_49] : memref<8x128xi32, #tpu.memory_space<vmem>> -> memref<1x128xi32, #tpu.memory_space<vmem>>
    %dma_wait3A_51 = tpu.memref_squeeze %dma_wait3A_50 : memref<1x128xi32, #tpu.memory_space<vmem>> -> memref<128xi32, #tpu.memory_space<vmem>>
    %dma_wait3A_52 = arith.constant 0 : i32
    %dma_wait3A_53 = arith.constant 0 : i32
    %dma_wait3A_54 = tpu.memref_slice %arg2[%dma_wait3A_52, %dma_wait3A_53] : memref<8192x256xf32, #tpu.memory_space<hbm>> -> memref<8192x256xf32, #tpu.memory_space<hbm>>
    tpu.wait_indirect_dma semaphore(%arg7 : memref<!tpu.dma_semaphore, #tpu.memory_space<semaphore_mem>>) src(%dma_wait3A_54 : memref<8192x256xf32, #tpu.memory_space<hbm>>) dst(%arg6 : memref<128x256xf32, #tpu.memory_space<vmem>>)
    %mul3A_55 = arith.constant 8 : i32
    %mul3A_56 = arith.muli %add3A, %mul3A_55 : i32
    %add3A_57 = arith.constant 2 : i32
    %add3A_58 = arith.addi %mul3A_56, %add3A_57 : i32
    %mul3A_59 = arith.constant 128 : i32
    %mul3A_60 = arith.muli %add3A_58, %mul3A_59 : i32
    "tpu.region"() ({
      %run_scoped3A = tpu.sem_alloc : memref<!tpu.dma_semaphore, #tpu.memory_space<semaphore_mem>>
      %dma_start3A_161 = arith.constant 0 : i32
      %dma_start3A_162 = tpu.memref_slice %arg4[%mul3A_60, %dma_start3A_161] : memref<32768x256xf32, #tpu.memory_space<hbm>> -> memref<128x256xf32, #tpu.memory_space<hbm>>
      %dma_start3A_163 = arith.constant 0 : i32
      %dma_start3A_164 = tpu.memref_slice %arg4[%mul3A_60, %dma_start3A_163] : memref<32768x256xf32, #tpu.memory_space<hbm>> -> memref<128x256xf32, #tpu.memory_space<hbm>>
      tpu.enqueue_dma source(%arg6 : memref<128x256xf32, #tpu.memory_space<vmem>>) target(%dma_start3A_164 : memref<128x256xf32, #tpu.memory_space<hbm>>) target_semaphore(%run_scoped3A : memref<!tpu.dma_semaphore, #tpu.memory_space<semaphore_mem>>)
      %dma_wait3A_165 = arith.constant 0 : i32
      %dma_wait3A_166 = tpu.memref_slice %arg4[%mul3A_60, %dma_wait3A_165] : memref<32768x256xf32, #tpu.memory_space<hbm>> -> memref<128x256xf32, #tpu.memory_space<hbm>>
      %dma_wait3A_167 = arith.constant 0 : i32
      %dma_wait3A_168 = tpu.memref_slice %arg4[%mul3A_60, %dma_wait3A_167] : memref<32768x256xf32, #tpu.memory_space<hbm>> -> memref<128x256xf32, #tpu.memory_space<hbm>>
      tpu.wait_dma2 semaphore(%run_scoped3A : memref<!tpu.dma_semaphore, #tpu.memory_space<semaphore_mem>>) src(%arg6 : memref<128x256xf32, #tpu.memory_space<vmem>>) dst(%dma_wait3A_168 : memref<128x256xf32, #tpu.memory_space<hbm>>)
      tpu.yield
    }) : () -> ()
    %dma_start3A_61 = arith.constant 3 : i32
    %dma_start3A_62 = arith.constant 0 : i32
    %dma_start3A_63 = tpu.memref_slice %arg5[%dma_start3A_61, %dma_start3A_62] : memref<8x128xi32, #tpu.memory_space<vmem>> -> memref<1x128xi32, #tpu.memory_space<vmem>>
    %dma_start3A_64 = tpu.memref_squeeze %dma_start3A_63 : memref<1x128xi32, #tpu.memory_space<vmem>> -> memref<128xi32, #tpu.memory_space<vmem>>
    %dma_start3A_65 = arith.constant 0 : i32
    %dma_start3A_66 = arith.constant 0 : i32
    %dma_start3A_67 = tpu.memref_slice %arg2[%dma_start3A_65, %dma_start3A_66] : memref<8192x256xf32, #tpu.memory_space<hbm>> -> memref<8192x256xf32, #tpu.memory_space<hbm>>
    tpu.enqueue_indirect_dma source(%dma_start3A_67 : memref<8192x256xf32, #tpu.memory_space<hbm>>) target(%arg6 : memref<128x256xf32, #tpu.memory_space<vmem>>) offsets(%dma_start3A_64 : memref<128xi32, #tpu.memory_space<vmem>>) semaphore(%arg7 : memref<!tpu.dma_semaphore, #tpu.memory_space<semaphore_mem>>)
    %dma_wait3A_68 = arith.constant 3 : i32
    %dma_wait3A_69 = arith.constant 0 : i32
    %dma_wait3A_70 = tpu.memref_slice %arg5[%dma_wait3A_68, %dma_wait3A_69] : memref<8x128xi32, #tpu.memory_space<vmem>> -> memref<1x128xi32, #tpu.memory_space<vmem>>
    %dma_wait3A_71 = tpu.memref_squeeze %dma_wait3A_70 : memref<1x128xi32, #tpu.memory_space<vmem>> -> memref<128xi32, #tpu.memory_space<vmem>>
    %dma_wait3A_72 = arith.constant 0 : i32
    %dma_wait3A_73 = arith.constant 0 : i32
    %dma_wait3A_74 = tpu.memref_slice %arg2[%dma_wait3A_72, %dma_wait3A_73] : memref<8192x256xf32, #tpu.memory_space<hbm>> -> memref<8192x256xf32, #tpu.memory_space<hbm>>
    tpu.wait_indirect_dma semaphore(%arg7 : memref<!tpu.dma_semaphore, #tpu.memory_space<semaphore_mem>>) src(%dma_wait3A_74 : memref<8192x256xf32, #tpu.memory_space<hbm>>) dst(%arg6 : memref<128x256xf32, #tpu.memory_space<vmem>>)
    %mul3A_75 = arith.constant 8 : i32
    %mul3A_76 = arith.muli %add3A, %mul3A_75 : i32
    %add3A_77 = arith.constant 3 : i32
    %add3A_78 = arith.addi %mul3A_76, %add3A_77 : i32
    %mul3A_79 = arith.constant 128 : i32
    %mul3A_80 = arith.muli %add3A_78, %mul3A_79 : i32
    "tpu.region"() ({
      %run_scoped3A = tpu.sem_alloc : memref<!tpu.dma_semaphore, #tpu.memory_space<semaphore_mem>>
      %dma_start3A_161 = arith.constant 0 : i32
      %dma_start3A_162 = tpu.memref_slice %arg4[%mul3A_80, %dma_start3A_161] : memref<32768x256xf32, #tpu.memory_space<hbm>> -> memref<128x256xf32, #tpu.memory_space<hbm>>
      %dma_start3A_163 = arith.constant 0 : i32
      %dma_start3A_164 = tpu.memref_slice %arg4[%mul3A_80, %dma_start3A_163] : memref<32768x256xf32, #tpu.memory_space<hbm>> -> memref<128x256xf32, #tpu.memory_space<hbm>>
      tpu.enqueue_dma source(%arg6 : memref<128x256xf32, #tpu.memory_space<vmem>>) target(%dma_start3A_164 : memref<128x256xf32, #tpu.memory_space<hbm>>) target_semaphore(%run_scoped3A : memref<!tpu.dma_semaphore, #tpu.memory_space<semaphore_mem>>)
      %dma_wait3A_165 = arith.constant 0 : i32
      %dma_wait3A_166 = tpu.memref_slice %arg4[%mul3A_80, %dma_wait3A_165] : memref<32768x256xf32, #tpu.memory_space<hbm>> -> memref<128x256xf32, #tpu.memory_space<hbm>>
      %dma_wait3A_167 = arith.constant 0 : i32
      %dma_wait3A_168 = tpu.memref_slice %arg4[%mul3A_80, %dma_wait3A_167] : memref<32768x256xf32, #tpu.memory_space<hbm>> -> memref<128x256xf32, #tpu.memory_space<hbm>>
      tpu.wait_dma2 semaphore(%run_scoped3A : memref<!tpu.dma_semaphore, #tpu.memory_space<semaphore_mem>>) src(%arg6 : memref<128x256xf32, #tpu.memory_space<vmem>>) dst(%dma_wait3A_168 : memref<128x256xf32, #tpu.memory_space<hbm>>)
      tpu.yield
    }) : () -> ()
    %dma_start3A_81 = arith.constant 4 : i32
    %dma_start3A_82 = arith.constant 0 : i32
    %dma_start3A_83 = tpu.memref_slice %arg5[%dma_start3A_81, %dma_start3A_82] : memref<8x128xi32, #tpu.memory_space<vmem>> -> memref<1x128xi32, #tpu.memory_space<vmem>>
    %dma_start3A_84 = tpu.memref_squeeze %dma_start3A_83 : memref<1x128xi32, #tpu.memory_space<vmem>> -> memref<128xi32, #tpu.memory_space<vmem>>
    %dma_start3A_85 = arith.constant 0 : i32
    %dma_start3A_86 = arith.constant 0 : i32
    %dma_start3A_87 = tpu.memref_slice %arg2[%dma_start3A_85, %dma_start3A_86] : memref<8192x256xf32, #tpu.memory_space<hbm>> -> memref<8192x256xf32, #tpu.memory_space<hbm>>
    tpu.enqueue_indirect_dma source(%dma_start3A_87 : memref<8192x256xf32, #tpu.memory_space<hbm>>) target(%arg6 : memref<128x256xf32, #tpu.memory_space<vmem>>) offsets(%dma_start3A_84 : memref<128xi32, #tpu.memory_space<vmem>>) semaphore(%arg7 : memref<!tpu.dma_semaphore, #tpu.memory_space<semaphore_mem>>)
    %dma_wait3A_88 = arith.constant 4 : i32
    %dma_wait3A_89 = arith.constant 0 : i32
    %dma_wait3A_90 = tpu.memref_slice %arg5[%dma_wait3A_88, %dma_wait3A_89] : memref<8x128xi32, #tpu.memory_space<vmem>> -> memref<1x128xi32, #tpu.memory_space<vmem>>
    %dma_wait3A_91 = tpu.memref_squeeze %dma_wait3A_90 : memref<1x128xi32, #tpu.memory_space<vmem>> -> memref<128xi32, #tpu.memory_space<vmem>>
    %dma_wait3A_92 = arith.constant 0 : i32
    %dma_wait3A_93 = arith.constant 0 : i32
    %dma_wait3A_94 = tpu.memref_slice %arg2[%dma_wait3A_92, %dma_wait3A_93] : memref<8192x256xf32, #tpu.memory_space<hbm>> -> memref<8192x256xf32, #tpu.memory_space<hbm>>
    tpu.wait_indirect_dma semaphore(%arg7 : memref<!tpu.dma_semaphore, #tpu.memory_space<semaphore_mem>>) src(%dma_wait3A_94 : memref<8192x256xf32, #tpu.memory_space<hbm>>) dst(%arg6 : memref<128x256xf32, #tpu.memory_space<vmem>>)
    %mul3A_95 = arith.constant 8 : i32
    %mul3A_96 = arith.muli %add3A, %mul3A_95 : i32
    %add3A_97 = arith.constant 4 : i32
    %add3A_98 = arith.addi %mul3A_96, %add3A_97 : i32
    %mul3A_99 = arith.constant 128 : i32
    %mul3A_100 = arith.muli %add3A_98, %mul3A_99 : i32
    "tpu.region"() ({
      %run_scoped3A = tpu.sem_alloc : memref<!tpu.dma_semaphore, #tpu.memory_space<semaphore_mem>>
      %dma_start3A_161 = arith.constant 0 : i32
      %dma_start3A_162 = tpu.memref_slice %arg4[%mul3A_100, %dma_start3A_161] : memref<32768x256xf32, #tpu.memory_space<hbm>> -> memref<128x256xf32, #tpu.memory_space<hbm>>
      %dma_start3A_163 = arith.constant 0 : i32
      %dma_start3A_164 = tpu.memref_slice %arg4[%mul3A_100, %dma_start3A_163] : memref<32768x256xf32, #tpu.memory_space<hbm>> -> memref<128x256xf32, #tpu.memory_space<hbm>>
      tpu.enqueue_dma source(%arg6 : memref<128x256xf32, #tpu.memory_space<vmem>>) target(%dma_start3A_164 : memref<128x256xf32, #tpu.memory_space<hbm>>) target_semaphore(%run_scoped3A : memref<!tpu.dma_semaphore, #tpu.memory_space<semaphore_mem>>)
      %dma_wait3A_165 = arith.constant 0 : i32
      %dma_wait3A_166 = tpu.memref_slice %arg4[%mul3A_100, %dma_wait3A_165] : memref<32768x256xf32, #tpu.memory_space<hbm>> -> memref<128x256xf32, #tpu.memory_space<hbm>>
      %dma_wait3A_167 = arith.constant 0 : i32
      %dma_wait3A_168 = tpu.memref_slice %arg4[%mul3A_100, %dma_wait3A_167] : memref<32768x256xf32, #tpu.memory_space<hbm>> -> memref<128x256xf32, #tpu.memory_space<hbm>>
      tpu.wait_dma2 semaphore(%run_scoped3A : memref<!tpu.dma_semaphore, #tpu.memory_space<semaphore_mem>>) src(%arg6 : memref<128x256xf32, #tpu.memory_space<vmem>>) dst(%dma_wait3A_168 : memref<128x256xf32, #tpu.memory_space<hbm>>)
      tpu.yield
    }) : () -> ()
    %dma_start3A_101 = arith.constant 5 : i32
    %dma_start3A_102 = arith.constant 0 : i32
    %dma_start3A_103 = tpu.memref_slice %arg5[%dma_start3A_101, %dma_start3A_102] : memref<8x128xi32, #tpu.memory_space<vmem>> -> memref<1x128xi32, #tpu.memory_space<vmem>>
    %dma_start3A_104 = tpu.memref_squeeze %dma_start3A_103 : memref<1x128xi32, #tpu.memory_space<vmem>> -> memref<128xi32, #tpu.memory_space<vmem>>
    %dma_start3A_105 = arith.constant 0 : i32
    %dma_start3A_106 = arith.constant 0 : i32
    %dma_start3A_107 = tpu.memref_slice %arg2[%dma_start3A_105, %dma_start3A_106] : memref<8192x256xf32, #tpu.memory_space<hbm>> -> memref<8192x256xf32, #tpu.memory_space<hbm>>
    tpu.enqueue_indirect_dma source(%dma_start3A_107 : memref<8192x256xf32, #tpu.memory_space<hbm>>) target(%arg6 : memref<128x256xf32, #tpu.memory_space<vmem>>) offsets(%dma_start3A_104 : memref<128xi32, #tpu.memory_space<vmem>>) semaphore(%arg7 : memref<!tpu.dma_semaphore, #tpu.memory_space<semaphore_mem>>)
    %dma_wait3A_108 = arith.constant 5 : i32
    %dma_wait3A_109 = arith.constant 0 : i32
    %dma_wait3A_110 = tpu.memref_slice %arg5[%dma_wait3A_108, %dma_wait3A_109] : memref<8x128xi32, #tpu.memory_space<vmem>> -> memref<1x128xi32, #tpu.memory_space<vmem>>
    %dma_wait3A_111 = tpu.memref_squeeze %dma_wait3A_110 : memref<1x128xi32, #tpu.memory_space<vmem>> -> memref<128xi32, #tpu.memory_space<vmem>>
    %dma_wait3A_112 = arith.constant 0 : i32
    %dma_wait3A_113 = arith.constant 0 : i32
    %dma_wait3A_114 = tpu.memref_slice %arg2[%dma_wait3A_112, %dma_wait3A_113] : memref<8192x256xf32, #tpu.memory_space<hbm>> -> memref<8192x256xf32, #tpu.memory_space<hbm>>
    tpu.wait_indirect_dma semaphore(%arg7 : memref<!tpu.dma_semaphore, #tpu.memory_space<semaphore_mem>>) src(%dma_wait3A_114 : memref<8192x256xf32, #tpu.memory_space<hbm>>) dst(%arg6 : memref<128x256xf32, #tpu.memory_space<vmem>>)
    %mul3A_115 = arith.constant 8 : i32
    %mul3A_116 = arith.muli %add3A, %mul3A_115 : i32
    %add3A_117 = arith.constant 5 : i32
    %add3A_118 = arith.addi %mul3A_116, %add3A_117 : i32
    %mul3A_119 = arith.constant 128 : i32
    %mul3A_120 = arith.muli %add3A_118, %mul3A_119 : i32
    "tpu.region"() ({
      %run_scoped3A = tpu.sem_alloc : memref<!tpu.dma_semaphore, #tpu.memory_space<semaphore_mem>>
      %dma_start3A_161 = arith.constant 0 : i32
      %dma_start3A_162 = tpu.memref_slice %arg4[%mul3A_120, %dma_start3A_161] : memref<32768x256xf32, #tpu.memory_space<hbm>> -> memref<128x256xf32, #tpu.memory_space<hbm>>
      %dma_start3A_163 = arith.constant 0 : i32
      %dma_start3A_164 = tpu.memref_slice %arg4[%mul3A_120, %dma_start3A_163] : memref<32768x256xf32, #tpu.memory_space<hbm>> -> memref<128x256xf32, #tpu.memory_space<hbm>>
      tpu.enqueue_dma source(%arg6 : memref<128x256xf32, #tpu.memory_space<vmem>>) target(%dma_start3A_164 : memref<128x256xf32, #tpu.memory_space<hbm>>) target_semaphore(%run_scoped3A : memref<!tpu.dma_semaphore, #tpu.memory_space<semaphore_mem>>)
      %dma_wait3A_165 = arith.constant 0 : i32
      %dma_wait3A_166 = tpu.memref_slice %arg4[%mul3A_120, %dma_wait3A_165] : memref<32768x256xf32, #tpu.memory_space<hbm>> -> memref<128x256xf32, #tpu.memory_space<hbm>>
      %dma_wait3A_167 = arith.constant 0 : i32
      %dma_wait3A_168 = tpu.memref_slice %arg4[%mul3A_120, %dma_wait3A_167] : memref<32768x256xf32, #tpu.memory_space<hbm>> -> memref<128x256xf32, #tpu.memory_space<hbm>>
      tpu.wait_dma2 semaphore(%run_scoped3A : memref<!tpu.dma_semaphore, #tpu.memory_space<semaphore_mem>>) src(%arg6 : memref<128x256xf32, #tpu.memory_space<vmem>>) dst(%dma_wait3A_168 : memref<128x256xf32, #tpu.memory_space<hbm>>)
      tpu.yield
    }) : () -> ()
    %dma_start3A_121 = arith.constant 6 : i32
    %dma_start3A_122 = arith.constant 0 : i32
    %dma_start3A_123 = tpu.memref_slice %arg5[%dma_start3A_121, %dma_start3A_122] : memref<8x128xi32, #tpu.memory_space<vmem>> -> memref<1x128xi32, #tpu.memory_space<vmem>>
    %dma_start3A_124 = tpu.memref_squeeze %dma_start3A_123 : memref<1x128xi32, #tpu.memory_space<vmem>> -> memref<128xi32, #tpu.memory_space<vmem>>
    %dma_start3A_125 = arith.constant 0 : i32
    %dma_start3A_126 = arith.constant 0 : i32
    %dma_start3A_127 = tpu.memref_slice %arg2[%dma_start3A_125, %dma_start3A_126] : memref<8192x256xf32, #tpu.memory_space<hbm>> -> memref<8192x256xf32, #tpu.memory_space<hbm>>
    tpu.enqueue_indirect_dma source(%dma_start3A_127 : memref<8192x256xf32, #tpu.memory_space<hbm>>) target(%arg6 : memref<128x256xf32, #tpu.memory_space<vmem>>) offsets(%dma_start3A_124 : memref<128xi32, #tpu.memory_space<vmem>>) semaphore(%arg7 : memref<!tpu.dma_semaphore, #tpu.memory_space<semaphore_mem>>)
    %dma_wait3A_128 = arith.constant 6 : i32
    %dma_wait3A_129 = arith.constant 0 : i32
    %dma_wait3A_130 = tpu.memref_slice %arg5[%dma_wait3A_128, %dma_wait3A_129] : memref<8x128xi32, #tpu.memory_space<vmem>> -> memref<1x128xi32, #tpu.memory_space<vmem>>
    %dma_wait3A_131 = tpu.memref_squeeze %dma_wait3A_130 : memref<1x128xi32, #tpu.memory_space<vmem>> -> memref<128xi32, #tpu.memory_space<vmem>>
    %dma_wait3A_132 = arith.constant 0 : i32
    %dma_wait3A_133 = arith.constant 0 : i32
    %dma_wait3A_134 = tpu.memref_slice %arg2[%dma_wait3A_132, %dma_wait3A_133] : memref<8192x256xf32, #tpu.memory_space<hbm>> -> memref<8192x256xf32, #tpu.memory_space<hbm>>
    tpu.wait_indirect_dma semaphore(%arg7 : memref<!tpu.dma_semaphore, #tpu.memory_space<semaphore_mem>>) src(%dma_wait3A_134 : memref<8192x256xf32, #tpu.memory_space<hbm>>) dst(%arg6 : memref<128x256xf32, #tpu.memory_space<vmem>>)
    %mul3A_135 = arith.constant 8 : i32
    %mul3A_136 = arith.muli %add3A, %mul3A_135 : i32
    %add3A_137 = arith.constant 6 : i32
    %add3A_138 = arith.addi %mul3A_136, %add3A_137 : i32
    %mul3A_139 = arith.constant 128 : i32
    %mul3A_140 = arith.muli %add3A_138, %mul3A_139 : i32
    "tpu.region"() ({
      %run_scoped3A = tpu.sem_alloc : memref<!tpu.dma_semaphore, #tpu.memory_space<semaphore_mem>>
      %dma_start3A_161 = arith.constant 0 : i32
      %dma_start3A_162 = tpu.memref_slice %arg4[%mul3A_140, %dma_start3A_161] : memref<32768x256xf32, #tpu.memory_space<hbm>> -> memref<128x256xf32, #tpu.memory_space<hbm>>
      %dma_start3A_163 = arith.constant 0 : i32
      %dma_start3A_164 = tpu.memref_slice %arg4[%mul3A_140, %dma_start3A_163] : memref<32768x256xf32, #tpu.memory_space<hbm>> -> memref<128x256xf32, #tpu.memory_space<hbm>>
      tpu.enqueue_dma source(%arg6 : memref<128x256xf32, #tpu.memory_space<vmem>>) target(%dma_start3A_164 : memref<128x256xf32, #tpu.memory_space<hbm>>) target_semaphore(%run_scoped3A : memref<!tpu.dma_semaphore, #tpu.memory_space<semaphore_mem>>)
      %dma_wait3A_165 = arith.constant 0 : i32
      %dma_wait3A_166 = tpu.memref_slice %arg4[%mul3A_140, %dma_wait3A_165] : memref<32768x256xf32, #tpu.memory_space<hbm>> -> memref<128x256xf32, #tpu.memory_space<hbm>>
      %dma_wait3A_167 = arith.constant 0 : i32
      %dma_wait3A_168 = tpu.memref_slice %arg4[%mul3A_140, %dma_wait3A_167] : memref<32768x256xf32, #tpu.memory_space<hbm>> -> memref<128x256xf32, #tpu.memory_space<hbm>>
      tpu.wait_dma2 semaphore(%run_scoped3A : memref<!tpu.dma_semaphore, #tpu.memory_space<semaphore_mem>>) src(%arg6 : memref<128x256xf32, #tpu.memory_space<vmem>>) dst(%dma_wait3A_168 : memref<128x256xf32, #tpu.memory_space<hbm>>)
      tpu.yield
    }) : () -> ()
    %dma_start3A_141 = arith.constant 7 : i32
    %dma_start3A_142 = arith.constant 0 : i32
    %dma_start3A_143 = tpu.memref_slice %arg5[%dma_start3A_141, %dma_start3A_142] : memref<8x128xi32, #tpu.memory_space<vmem>> -> memref<1x128xi32, #tpu.memory_space<vmem>>
    %dma_start3A_144 = tpu.memref_squeeze %dma_start3A_143 : memref<1x128xi32, #tpu.memory_space<vmem>> -> memref<128xi32, #tpu.memory_space<vmem>>
    %dma_start3A_145 = arith.constant 0 : i32
    %dma_start3A_146 = arith.constant 0 : i32
    %dma_start3A_147 = tpu.memref_slice %arg2[%dma_start3A_145, %dma_start3A_146] : memref<8192x256xf32, #tpu.memory_space<hbm>> -> memref<8192x256xf32, #tpu.memory_space<hbm>>
    tpu.enqueue_indirect_dma source(%dma_start3A_147 : memref<8192x256xf32, #tpu.memory_space<hbm>>) target(%arg6 : memref<128x256xf32, #tpu.memory_space<vmem>>) offsets(%dma_start3A_144 : memref<128xi32, #tpu.memory_space<vmem>>) semaphore(%arg7 : memref<!tpu.dma_semaphore, #tpu.memory_space<semaphore_mem>>)
    %dma_wait3A_148 = arith.constant 7 : i32
    %dma_wait3A_149 = arith.constant 0 : i32
    %dma_wait3A_150 = tpu.memref_slice %arg5[%dma_wait3A_148, %dma_wait3A_149] : memref<8x128xi32, #tpu.memory_space<vmem>> -> memref<1x128xi32, #tpu.memory_space<vmem>>
    %dma_wait3A_151 = tpu.memref_squeeze %dma_wait3A_150 : memref<1x128xi32, #tpu.memory_space<vmem>> -> memref<128xi32, #tpu.memory_space<vmem>>
    %dma_wait3A_152 = arith.constant 0 : i32
    %dma_wait3A_153 = arith.constant 0 : i32
    %dma_wait3A_154 = tpu.memref_slice %arg2[%dma_wait3A_152, %dma_wait3A_153] : memref<8192x256xf32, #tpu.memory_space<hbm>> -> memref<8192x256xf32, #tpu.memory_space<hbm>>
    tpu.wait_indirect_dma semaphore(%arg7 : memref<!tpu.dma_semaphore, #tpu.memory_space<semaphore_mem>>) src(%dma_wait3A_154 : memref<8192x256xf32, #tpu.memory_space<hbm>>) dst(%arg6 : memref<128x256xf32, #tpu.memory_space<vmem>>)
    %mul3A_155 = arith.constant 8 : i32
    %mul3A_156 = arith.muli %add3A, %mul3A_155 : i32
    %add3A_157 = arith.constant 7 : i32
    %add3A_158 = arith.addi %mul3A_156, %add3A_157 : i32
    %mul3A_159 = arith.constant 128 : i32
    %mul3A_160 = arith.muli %add3A_158, %mul3A_159 : i32
    "tpu.region"() ({
      %run_scoped3A = tpu.sem_alloc : memref<!tpu.dma_semaphore, #tpu.memory_space<semaphore_mem>>
      %dma_start3A_161 = arith.constant 0 : i32
      %dma_start3A_162 = tpu.memref_slice %arg4[%mul3A_160, %dma_start3A_161] : memref<32768x256xf32, #tpu.memory_space<hbm>> -> memref<128x256xf32, #tpu.memory_space<hbm>>
      %dma_start3A_163 = arith.constant 0 : i32
      %dma_start3A_164 = tpu.memref_slice %arg4[%mul3A_160, %dma_start3A_163] : memref<32768x256xf32, #tpu.memory_space<hbm>> -> memref<128x256xf32, #tpu.memory_space<hbm>>
      tpu.enqueue_dma source(%arg6 : memref<128x256xf32, #tpu.memory_space<vmem>>) target(%dma_start3A_164 : memref<128x256xf32, #tpu.memory_space<hbm>>) target_semaphore(%run_scoped3A : memref<!tpu.dma_semaphore, #tpu.memory_space<semaphore_mem>>)
      %dma_wait3A_165 = arith.constant 0 : i32
      %dma_wait3A_166 = tpu.memref_slice %arg4[%mul3A_160, %dma_wait3A_165] : memref<32768x256xf32, #tpu.memory_space<hbm>> -> memref<128x256xf32, #tpu.memory_space<hbm>>
      %dma_wait3A_167 = arith.constant 0 : i32
      %dma_wait3A_168 = tpu.memref_slice %arg4[%mul3A_160, %dma_wait3A_167] : memref<32768x256xf32, #tpu.memory_space<hbm>> -> memref<128x256xf32, #tpu.memory_space<hbm>>
      tpu.wait_dma2 semaphore(%run_scoped3A : memref<!tpu.dma_semaphore, #tpu.memory_space<semaphore_mem>>) src(%arg6 : memref<128x256xf32, #tpu.memory_space<vmem>>) dst(%dma_wait3A_168 : memref<128x256xf32, #tpu.memory_space<hbm>>)
      tpu.yield
    }) : () -> ()
    return
  }
}

module attributes {stable_mosaic.version = 14 : i64} {
  func.func @_argmin_body(%arg0: i32, %arg1: memref<512x256xf32, #tpu.memory_space<vmem>>, %arg2: memref<256x8192xf32, #tpu.memory_space<vmem>>, %arg3: memref<512x1xi32, #tpu.memory_space<vmem>>, %arg4: memref<1x8192xf32, #tpu.memory_space<vmem>>) attributes {dimension_semantics = [#tpu.dimension_semantics<arbitrary>], iteration_bounds = array<i64: 64>, scalar_prefetch = 0 : i64, scratch_operands = 1 : i64, tpu.core_type = #tpu.core_type<tc>, window_params = [{transform_indices = @transform_0, window_bounds = array<i64: 512, 256>}, {pipeline_mode = #tpu.pipeline_mode<synchronous>, transform_indices = @transform_1, window_bounds = array<i64: 256, 8192>}, {transform_indices = @transform_2, window_bounds = array<i64: 512, 1>}]} {
    %eq3A = arith.constant 0 : i32
    %eq3A_0 = arith.cmpi eq, %arg0, %eq3A : i32
    %convert_element_type3A = arith.extui %eq3A_0 : i1 to i32
    %cond3A = arith.constant 0 : i32
    %cond3A_1 = arith.cmpi ne, %convert_element_type3A, %cond3A : i32
    scf.if %cond3A_1 {
      %get3A_855 = arith.constant 0 : index
      %get3A_856 = arith.constant 0 : index
      %get3A_857 = vector.load %arg2[%get3A_855, %get3A_856] : memref<256x8192xf32, #tpu.memory_space<vmem>>, vector<256x8192xf32>
      %square3A_858 = arith.mulf %get3A_857, %get3A_857 : vector<256x8192xf32>
      %reduce_sum3A_859 = arith.constant dense<0.000000e+00> : vector<8192xf32>
      %reduce_sum3A_860 = vector.multi_reduction <add>, %square3A_858, %reduce_sum3A_859 [0] : vector<256x8192xf32> to vector<8192xf32>
      %broadcast_in_dim3A_861 = vector.shape_cast %reduce_sum3A_860 : vector<8192xf32> to vector<1x8192xf32>
      %swap3A_862 = arith.constant 0 : index
      %swap3A_863 = arith.constant 0 : index
      %swap3A_864 = vector.load %arg4[%swap3A_862, %swap3A_863] : memref<1x8192xf32, #tpu.memory_space<vmem>>, vector<1x8192xf32>
      tpu.vector_store %arg4[%swap3A_862, %swap3A_863], %broadcast_in_dim3A_861 {strides = array<i32>} : memref<1x8192xf32, #tpu.memory_space<vmem>>, vector<1x8192xf32>,
    } else {
    }
    %get3A = arith.constant 0 : index
    %get3A_2 = arith.constant 0 : index
    %get3A_3 = vector.load %arg1[%get3A, %get3A_2] : memref<512x256xf32, #tpu.memory_space<vmem>>, vector<512x256xf32>
    %square3A = arith.mulf %get3A_3, %get3A_3 : vector<512x256xf32>
    %reduce_sum3A = arith.constant dense<0.000000e+00> : vector<512xf32>
    %reduce_sum3A_4 = vector.multi_reduction <add>, %square3A, %reduce_sum3A [1] : vector<512x256xf32> to vector<512xf32>
    %broadcast_in_dim3A = vector.shape_cast %reduce_sum3A_4 : vector<512xf32> to vector<512x1xf32>
    %add3A = arith.addf %get3A_3, %get3A_3 : vector<512x256xf32>
    %get3A_5 = arith.constant 0 : index
    %get3A_6 = arith.constant 0 : index
    %get3A_7 = vector.load %arg2[%get3A_5, %get3A_6] : memref<256x8192xf32, #tpu.memory_space<vmem>>, vector<256x8192xf32>
    %dot_general3A = arith.constant dense<0.000000e+00> : vector<512x8192xf32>
    %dot_general3A_8 = tpu.matmul %add3A, %get3A_7, %dot_general3A {dimension_numbers = #tpu.dot_dimension_numbers<[1], [0], [0], [1], [0, 0, 1, 1], [], []>, transpose_lhs_hint = false} : vector<512x256xf32>, vector<256x8192xf32>, vector<512x8192xf32> -> vector<512x8192xf32>
    %broadcast_in_dim3A_9 = arith.constant 0x7F800000 : f32
    %broadcast_in_dim3A_10 = vector.broadcast %broadcast_in_dim3A_9 : f32 to vector<512x128xf32>
    %broadcast_in_dim3A_11 = arith.constant 0 : i32
    %broadcast_in_dim3A_12 = vector.broadcast %broadcast_in_dim3A_11 : i32 to vector<512x128xi32>
    %get3A_13 = arith.constant 0 : index
    %get3A_14 = arith.constant 0 : index
    %get3A_15 = vector.load %arg4[%get3A_13, %get3A_14] : memref<1x8192xf32, #tpu.memory_space<vmem>>, vector<1x128xf32>
    %add3A_16 = vector.broadcast %broadcast_in_dim3A : vector<512x1xf32> to vector<512x128xf32>
    %add3A_17 = vector.broadcast %get3A_15 : vector<1x128xf32> to vector<512x128xf32>
    %add3A_18 = arith.addf %add3A_16, %add3A_17 : vector<512x128xf32>
    %slice3A = vector.extract_strided_slice %dot_general3A_8 {offsets = [0, 0], sizes = [512, 128], strides = [1, 1]} : vector<512x8192xf32> to vector<512x128xf32>
    %sub3A = arith.subf %add3A_18, %slice3A : vector<512x128xf32>
    %lt3A = arith.cmpf olt, %sub3A, %broadcast_in_dim3A_10 : vector<512x128xf32>
    %select_n3A = arith.select %lt3A, %sub3A, %broadcast_in_dim3A_10 : vector<512x128xi1>, vector<512x128xf32>
    %jit3A = arith.constant 0 : i32
    %broadcast_in_dim3A_19 = vector.broadcast %jit3A : i32 to vector<512x128xi32>
    %select_n3A_20 = arith.select %lt3A, %broadcast_in_dim3A_19, %broadcast_in_dim3A_12 : vector<512x128xi1>, vector<512x128xi32>
    %get3A_21 = arith.constant 0 : index
    %get3A_22 = arith.constant 128 : index
    %get3A_23 = vector.load %arg4[%get3A_21, %get3A_22] : memref<1x8192xf32, #tpu.memory_space<vmem>>, vector<1x128xf32>
    %add3A_24 = vector.broadcast %broadcast_in_dim3A : vector<512x1xf32> to vector<512x128xf32>
    %add3A_25 = vector.broadcast %get3A_23 : vector<1x128xf32> to vector<512x128xf32>
    %add3A_26 = arith.addf %add3A_24, %add3A_25 : vector<512x128xf32>
    %slice3A_27 = vector.extract_strided_slice %dot_general3A_8 {offsets = [0, 128], sizes = [512, 128], strides = [1, 1]} : vector<512x8192xf32> to vector<512x128xf32>
    %sub3A_28 = arith.subf %add3A_26, %slice3A_27 : vector<512x128xf32>
    %lt3A_29 = arith.cmpf olt, %sub3A_28, %select_n3A : vector<512x128xf32>
    %select_n3A_30 = arith.select %lt3A_29, %sub3A_28, %select_n3A : vector<512x128xi1>, vector<512x128xf32>
    %jit3A_31 = arith.constant 1 : i32
    %broadcast_in_dim3A_32 = vector.broadcast %jit3A_31 : i32 to vector<512x128xi32>
    %select_n3A_33 = arith.select %lt3A_29, %broadcast_in_dim3A_32, %select_n3A_20 : vector<512x128xi1>, vector<512x128xi32>
    %get3A_34 = arith.constant 0 : index
    %get3A_35 = arith.constant 256 : index
    %get3A_36 = vector.load %arg4[%get3A_34, %get3A_35] : memref<1x8192xf32, #tpu.memory_space<vmem>>, vector<1x128xf32>
    %add3A_37 = vector.broadcast %broadcast_in_dim3A : vector<512x1xf32> to vector<512x128xf32>
    %add3A_38 = vector.broadcast %get3A_36 : vector<1x128xf32> to vector<512x128xf32>
    %add3A_39 = arith.addf %add3A_37, %add3A_38 : vector<512x128xf32>
    %slice3A_40 = vector.extract_strided_slice %dot_general3A_8 {offsets = [0, 256], sizes = [512, 128], strides = [1, 1]} : vector<512x8192xf32> to vector<512x128xf32>
    %sub3A_41 = arith.subf %add3A_39, %slice3A_40 : vector<512x128xf32>
    %lt3A_42 = arith.cmpf olt, %sub3A_41, %select_n3A_30 : vector<512x128xf32>
    %select_n3A_43 = arith.select %lt3A_42, %sub3A_41, %select_n3A_30 : vector<512x128xi1>, vector<512x128xf32>
    %jit3A_44 = arith.constant 2 : i32
    %broadcast_in_dim3A_45 = vector.broadcast %jit3A_44 : i32 to vector<512x128xi32>
    %select_n3A_46 = arith.select %lt3A_42, %broadcast_in_dim3A_45, %select_n3A_33 : vector<512x128xi1>, vector<512x128xi32>
    %get3A_47 = arith.constant 0 : index
    %get3A_48 = arith.constant 384 : index
    %get3A_49 = vector.load %arg4[%get3A_47, %get3A_48] : memref<1x8192xf32, #tpu.memory_space<vmem>>, vector<1x128xf32>
    %add3A_50 = vector.broadcast %broadcast_in_dim3A : vector<512x1xf32> to vector<512x128xf32>
    %add3A_51 = vector.broadcast %get3A_49 : vector<1x128xf32> to vector<512x128xf32>
    %add3A_52 = arith.addf %add3A_50, %add3A_51 : vector<512x128xf32>
    %slice3A_53 = vector.extract_strided_slice %dot_general3A_8 {offsets = [0, 384], sizes = [512, 128], strides = [1, 1]} : vector<512x8192xf32> to vector<512x128xf32>
    %sub3A_54 = arith.subf %add3A_52, %slice3A_53 : vector<512x128xf32>
    %lt3A_55 = arith.cmpf olt, %sub3A_54, %select_n3A_43 : vector<512x128xf32>
    %select_n3A_56 = arith.select %lt3A_55, %sub3A_54, %select_n3A_43 : vector<512x128xi1>, vector<512x128xf32>
    %jit3A_57 = arith.constant 3 : i32
    %broadcast_in_dim3A_58 = vector.broadcast %jit3A_57 : i32 to vector<512x128xi32>
    %select_n3A_59 = arith.select %lt3A_55, %broadcast_in_dim3A_58, %select_n3A_46 : vector<512x128xi1>, vector<512x128xi32>
    %get3A_60 = arith.constant 0 : index
    %get3A_61 = arith.constant 512 : index
    %get3A_62 = vector.load %arg4[%get3A_60, %get3A_61] : memref<1x8192xf32, #tpu.memory_space<vmem>>, vector<1x128xf32>
    %add3A_63 = vector.broadcast %broadcast_in_dim3A : vector<512x1xf32> to vector<512x128xf32>
    %add3A_64 = vector.broadcast %get3A_62 : vector<1x128xf32> to vector<512x128xf32>
    %add3A_65 = arith.addf %add3A_63, %add3A_64 : vector<512x128xf32>
    %slice3A_66 = vector.extract_strided_slice %dot_general3A_8 {offsets = [0, 512], sizes = [512, 128], strides = [1, 1]} : vector<512x8192xf32> to vector<512x128xf32>
    %sub3A_67 = arith.subf %add3A_65, %slice3A_66 : vector<512x128xf32>
    %lt3A_68 = arith.cmpf olt, %sub3A_67, %select_n3A_56 : vector<512x128xf32>
    %select_n3A_69 = arith.select %lt3A_68, %sub3A_67, %select_n3A_56 : vector<512x128xi1>, vector<512x128xf32>
    %jit3A_70 = arith.constant 4 : i32
    %broadcast_in_dim3A_71 = vector.broadcast %jit3A_70 : i32 to vector<512x128xi32>
    %select_n3A_72 = arith.select %lt3A_68, %broadcast_in_dim3A_71, %select_n3A_59 : vector<512x128xi1>, vector<512x128xi32>
    %get3A_73 = arith.constant 0 : index
    %get3A_74 = arith.constant 640 : index
    %get3A_75 = vector.load %arg4[%get3A_73, %get3A_74] : memref<1x8192xf32, #tpu.memory_space<vmem>>, vector<1x128xf32>
    %add3A_76 = vector.broadcast %broadcast_in_dim3A : vector<512x1xf32> to vector<512x128xf32>
    %add3A_77 = vector.broadcast %get3A_75 : vector<1x128xf32> to vector<512x128xf32>
    %add3A_78 = arith.addf %add3A_76, %add3A_77 : vector<512x128xf32>
    %slice3A_79 = vector.extract_strided_slice %dot_general3A_8 {offsets = [0, 640], sizes = [512, 128], strides = [1, 1]} : vector<512x8192xf32> to vector<512x128xf32>
    %sub3A_80 = arith.subf %add3A_78, %slice3A_79 : vector<512x128xf32>
    %lt3A_81 = arith.cmpf olt, %sub3A_80, %select_n3A_69 : vector<512x128xf32>
    %select_n3A_82 = arith.select %lt3A_81, %sub3A_80, %select_n3A_69 : vector<512x128xi1>, vector<512x128xf32>
    %jit3A_83 = arith.constant 5 : i32
    %broadcast_in_dim3A_84 = vector.broadcast %jit3A_83 : i32 to vector<512x128xi32>
    %select_n3A_85 = arith.select %lt3A_81, %broadcast_in_dim3A_84, %select_n3A_72 : vector<512x128xi1>, vector<512x128xi32>
    %get3A_86 = arith.constant 0 : index
    %get3A_87 = arith.constant 768 : index
    %get3A_88 = vector.load %arg4[%get3A_86, %get3A_87] : memref<1x8192xf32, #tpu.memory_space<vmem>>, vector<1x128xf32>
    %add3A_89 = vector.broadcast %broadcast_in_dim3A : vector<512x1xf32> to vector<512x128xf32>
    %add3A_90 = vector.broadcast %get3A_88 : vector<1x128xf32> to vector<512x128xf32>
    %add3A_91 = arith.addf %add3A_89, %add3A_90 : vector<512x128xf32>
    %slice3A_92 = vector.extract_strided_slice %dot_general3A_8 {offsets = [0, 768], sizes = [512, 128], strides = [1, 1]} : vector<512x8192xf32> to vector<512x128xf32>
    %sub3A_93 = arith.subf %add3A_91, %slice3A_92 : vector<512x128xf32>
    %lt3A_94 = arith.cmpf olt, %sub3A_93, %select_n3A_82 : vector<512x128xf32>
    %select_n3A_95 = arith.select %lt3A_94, %sub3A_93, %select_n3A_82 : vector<512x128xi1>, vector<512x128xf32>
    %jit3A_96 = arith.constant 6 : i32
    %broadcast_in_dim3A_97 = vector.broadcast %jit3A_96 : i32 to vector<512x128xi32>
    %select_n3A_98 = arith.select %lt3A_94, %broadcast_in_dim3A_97, %select_n3A_85 : vector<512x128xi1>, vector<512x128xi32>
    %get3A_99 = arith.constant 0 : index
    %get3A_100 = arith.constant 896 : index
    %get3A_101 = vector.load %arg4[%get3A_99, %get3A_100] : memref<1x8192xf32, #tpu.memory_space<vmem>>, vector<1x128xf32>
    %add3A_102 = vector.broadcast %broadcast_in_dim3A : vector<512x1xf32> to vector<512x128xf32>
    %add3A_103 = vector.broadcast %get3A_101 : vector<1x128xf32> to vector<512x128xf32>
    %add3A_104 = arith.addf %add3A_102, %add3A_103 : vector<512x128xf32>
    %slice3A_105 = vector.extract_strided_slice %dot_general3A_8 {offsets = [0, 896], sizes = [512, 128], strides = [1, 1]} : vector<512x8192xf32> to vector<512x128xf32>
    %sub3A_106 = arith.subf %add3A_104, %slice3A_105 : vector<512x128xf32>
    %lt3A_107 = arith.cmpf olt, %sub3A_106, %select_n3A_95 : vector<512x128xf32>
    %select_n3A_108 = arith.select %lt3A_107, %sub3A_106, %select_n3A_95 : vector<512x128xi1>, vector<512x128xf32>
    %jit3A_109 = arith.constant 7 : i32
    %broadcast_in_dim3A_110 = vector.broadcast %jit3A_109 : i32 to vector<512x128xi32>
    %select_n3A_111 = arith.select %lt3A_107, %broadcast_in_dim3A_110, %select_n3A_98 : vector<512x128xi1>, vector<512x128xi32>
    %get3A_112 = arith.constant 0 : index
    %get3A_113 = arith.constant 1024 : index
    %get3A_114 = vector.load %arg4[%get3A_112, %get3A_113] : memref<1x8192xf32, #tpu.memory_space<vmem>>, vector<1x128xf32>
    %add3A_115 = vector.broadcast %broadcast_in_dim3A : vector<512x1xf32> to vector<512x128xf32>
    %add3A_116 = vector.broadcast %get3A_114 : vector<1x128xf32> to vector<512x128xf32>
    %add3A_117 = arith.addf %add3A_115, %add3A_116 : vector<512x128xf32>
    %slice3A_118 = vector.extract_strided_slice %dot_general3A_8 {offsets = [0, 1024], sizes = [512, 128], strides = [1, 1]} : vector<512x8192xf32> to vector<512x128xf32>
    %sub3A_119 = arith.subf %add3A_117, %slice3A_118 : vector<512x128xf32>
    %lt3A_120 = arith.cmpf olt, %sub3A_119, %select_n3A_108 : vector<512x128xf32>
    %select_n3A_121 = arith.select %lt3A_120, %sub3A_119, %select_n3A_108 : vector<512x128xi1>, vector<512x128xf32>
    %jit3A_122 = arith.constant 8 : i32
    %broadcast_in_dim3A_123 = vector.broadcast %jit3A_122 : i32 to vector<512x128xi32>
    %select_n3A_124 = arith.select %lt3A_120, %broadcast_in_dim3A_123, %select_n3A_111 : vector<512x128xi1>, vector<512x128xi32>
    %get3A_125 = arith.constant 0 : index
    %get3A_126 = arith.constant 1152 : index
    %get3A_127 = vector.load %arg4[%get3A_125, %get3A_126] : memref<1x8192xf32, #tpu.memory_space<vmem>>, vector<1x128xf32>
    %add3A_128 = vector.broadcast %broadcast_in_dim3A : vector<512x1xf32> to vector<512x128xf32>
    %add3A_129 = vector.broadcast %get3A_127 : vector<1x128xf32> to vector<512x128xf32>
    %add3A_130 = arith.addf %add3A_128, %add3A_129 : vector<512x128xf32>
    %slice3A_131 = vector.extract_strided_slice %dot_general3A_8 {offsets = [0, 1152], sizes = [512, 128], strides = [1, 1]} : vector<512x8192xf32> to vector<512x128xf32>
    %sub3A_132 = arith.subf %add3A_130, %slice3A_131 : vector<512x128xf32>
    %lt3A_133 = arith.cmpf olt, %sub3A_132, %select_n3A_121 : vector<512x128xf32>
    %select_n3A_134 = arith.select %lt3A_133, %sub3A_132, %select_n3A_121 : vector<512x128xi1>, vector<512x128xf32>
    %jit3A_135 = arith.constant 9 : i32
    %broadcast_in_dim3A_136 = vector.broadcast %jit3A_135 : i32 to vector<512x128xi32>
    %select_n3A_137 = arith.select %lt3A_133, %broadcast_in_dim3A_136, %select_n3A_124 : vector<512x128xi1>, vector<512x128xi32>
    %get3A_138 = arith.constant 0 : index
    %get3A_139 = arith.constant 1280 : index
    %get3A_140 = vector.load %arg4[%get3A_138, %get3A_139] : memref<1x8192xf32, #tpu.memory_space<vmem>>, vector<1x128xf32>
    %add3A_141 = vector.broadcast %broadcast_in_dim3A : vector<512x1xf32> to vector<512x128xf32>
    %add3A_142 = vector.broadcast %get3A_140 : vector<1x128xf32> to vector<512x128xf32>
    %add3A_143 = arith.addf %add3A_141, %add3A_142 : vector<512x128xf32>
    %slice3A_144 = vector.extract_strided_slice %dot_general3A_8 {offsets = [0, 1280], sizes = [512, 128], strides = [1, 1]} : vector<512x8192xf32> to vector<512x128xf32>
    %sub3A_145 = arith.subf %add3A_143, %slice3A_144 : vector<512x128xf32>
    %lt3A_146 = arith.cmpf olt, %sub3A_145, %select_n3A_134 : vector<512x128xf32>
    %select_n3A_147 = arith.select %lt3A_146, %sub3A_145, %select_n3A_134 : vector<512x128xi1>, vector<512x128xf32>
    %jit3A_148 = arith.constant 10 : i32
    %broadcast_in_dim3A_149 = vector.broadcast %jit3A_148 : i32 to vector<512x128xi32>
    %select_n3A_150 = arith.select %lt3A_146, %broadcast_in_dim3A_149, %select_n3A_137 : vector<512x128xi1>, vector<512x128xi32>
    %get3A_151 = arith.constant 0 : index
    %get3A_152 = arith.constant 1408 : index
    %get3A_153 = vector.load %arg4[%get3A_151, %get3A_152] : memref<1x8192xf32, #tpu.memory_space<vmem>>, vector<1x128xf32>
    %add3A_154 = vector.broadcast %broadcast_in_dim3A : vector<512x1xf32> to vector<512x128xf32>
    %add3A_155 = vector.broadcast %get3A_153 : vector<1x128xf32> to vector<512x128xf32>
    %add3A_156 = arith.addf %add3A_154, %add3A_155 : vector<512x128xf32>
    %slice3A_157 = vector.extract_strided_slice %dot_general3A_8 {offsets = [0, 1408], sizes = [512, 128], strides = [1, 1]} : vector<512x8192xf32> to vector<512x128xf32>
    %sub3A_158 = arith.subf %add3A_156, %slice3A_157 : vector<512x128xf32>
    %lt3A_159 = arith.cmpf olt, %sub3A_158, %select_n3A_147 : vector<512x128xf32>
    %select_n3A_160 = arith.select %lt3A_159, %sub3A_158, %select_n3A_147 : vector<512x128xi1>, vector<512x128xf32>
    %jit3A_161 = arith.constant 11 : i32
    %broadcast_in_dim3A_162 = vector.broadcast %jit3A_161 : i32 to vector<512x128xi32>
    %select_n3A_163 = arith.select %lt3A_159, %broadcast_in_dim3A_162, %select_n3A_150 : vector<512x128xi1>, vector<512x128xi32>
    %get3A_164 = arith.constant 0 : index
    %get3A_165 = arith.constant 1536 : index
    %get3A_166 = vector.load %arg4[%get3A_164, %get3A_165] : memref<1x8192xf32, #tpu.memory_space<vmem>>, vector<1x128xf32>
    %add3A_167 = vector.broadcast %broadcast_in_dim3A : vector<512x1xf32> to vector<512x128xf32>
    %add3A_168 = vector.broadcast %get3A_166 : vector<1x128xf32> to vector<512x128xf32>
    %add3A_169 = arith.addf %add3A_167, %add3A_168 : vector<512x128xf32>
    %slice3A_170 = vector.extract_strided_slice %dot_general3A_8 {offsets = [0, 1536], sizes = [512, 128], strides = [1, 1]} : vector<512x8192xf32> to vector<512x128xf32>
    %sub3A_171 = arith.subf %add3A_169, %slice3A_170 : vector<512x128xf32>
    %lt3A_172 = arith.cmpf olt, %sub3A_171, %select_n3A_160 : vector<512x128xf32>
    %select_n3A_173 = arith.select %lt3A_172, %sub3A_171, %select_n3A_160 : vector<512x128xi1>, vector<512x128xf32>
    %jit3A_174 = arith.constant 12 : i32
    %broadcast_in_dim3A_175 = vector.broadcast %jit3A_174 : i32 to vector<512x128xi32>
    %select_n3A_176 = arith.select %lt3A_172, %broadcast_in_dim3A_175, %select_n3A_163 : vector<512x128xi1>, vector<512x128xi32>
    %get3A_177 = arith.constant 0 : index
    %get3A_178 = arith.constant 1664 : index
    %get3A_179 = vector.load %arg4[%get3A_177, %get3A_178] : memref<1x8192xf32, #tpu.memory_space<vmem>>, vector<1x128xf32>
    %add3A_180 = vector.broadcast %broadcast_in_dim3A : vector<512x1xf32> to vector<512x128xf32>
    %add3A_181 = vector.broadcast %get3A_179 : vector<1x128xf32> to vector<512x128xf32>
    %add3A_182 = arith.addf %add3A_180, %add3A_181 : vector<512x128xf32>
    %slice3A_183 = vector.extract_strided_slice %dot_general3A_8 {offsets = [0, 1664], sizes = [512, 128], strides = [1, 1]} : vector<512x8192xf32> to vector<512x128xf32>
    %sub3A_184 = arith.subf %add3A_182, %slice3A_183 : vector<512x128xf32>
    %lt3A_185 = arith.cmpf olt, %sub3A_184, %select_n3A_173 : vector<512x128xf32>
    %select_n3A_186 = arith.select %lt3A_185, %sub3A_184, %select_n3A_173 : vector<512x128xi1>, vector<512x128xf32>
    %jit3A_187 = arith.constant 13 : i32
    %broadcast_in_dim3A_188 = vector.broadcast %jit3A_187 : i32 to vector<512x128xi32>
    %select_n3A_189 = arith.select %lt3A_185, %broadcast_in_dim3A_188, %select_n3A_176 : vector<512x128xi1>, vector<512x128xi32>
    %get3A_190 = arith.constant 0 : index
    %get3A_191 = arith.constant 1792 : index
    %get3A_192 = vector.load %arg4[%get3A_190, %get3A_191] : memref<1x8192xf32, #tpu.memory_space<vmem>>, vector<1x128xf32>
    %add3A_193 = vector.broadcast %broadcast_in_dim3A : vector<512x1xf32> to vector<512x128xf32>
    %add3A_194 = vector.broadcast %get3A_192 : vector<1x128xf32> to vector<512x128xf32>
    %add3A_195 = arith.addf %add3A_193, %add3A_194 : vector<512x128xf32>
    %slice3A_196 = vector.extract_strided_slice %dot_general3A_8 {offsets = [0, 1792], sizes = [512, 128], strides = [1, 1]} : vector<512x8192xf32> to vector<512x128xf32>
    %sub3A_197 = arith.subf %add3A_195, %slice3A_196 : vector<512x128xf32>
    %lt3A_198 = arith.cmpf olt, %sub3A_197, %select_n3A_186 : vector<512x128xf32>
    %select_n3A_199 = arith.select %lt3A_198, %sub3A_197, %select_n3A_186 : vector<512x128xi1>, vector<512x128xf32>
    %jit3A_200 = arith.constant 14 : i32
    %broadcast_in_dim3A_201 = vector.broadcast %jit3A_200 : i32 to vector<512x128xi32>
    %select_n3A_202 = arith.select %lt3A_198, %broadcast_in_dim3A_201, %select_n3A_189 : vector<512x128xi1>, vector<512x128xi32>
    %get3A_203 = arith.constant 0 : index
    %get3A_204 = arith.constant 1920 : index
    %get3A_205 = vector.load %arg4[%get3A_203, %get3A_204] : memref<1x8192xf32, #tpu.memory_space<vmem>>, vector<1x128xf32>
    %add3A_206 = vector.broadcast %broadcast_in_dim3A : vector<512x1xf32> to vector<512x128xf32>
    %add3A_207 = vector.broadcast %get3A_205 : vector<1x128xf32> to vector<512x128xf32>
    %add3A_208 = arith.addf %add3A_206, %add3A_207 : vector<512x128xf32>
    %slice3A_209 = vector.extract_strided_slice %dot_general3A_8 {offsets = [0, 1920], sizes = [512, 128], strides = [1, 1]} : vector<512x8192xf32> to vector<512x128xf32>
    %sub3A_210 = arith.subf %add3A_208, %slice3A_209 : vector<512x128xf32>
    %lt3A_211 = arith.cmpf olt, %sub3A_210, %select_n3A_199 : vector<512x128xf32>
    %select_n3A_212 = arith.select %lt3A_211, %sub3A_210, %select_n3A_199 : vector<512x128xi1>, vector<512x128xf32>
    %jit3A_213 = arith.constant 15 : i32
    %broadcast_in_dim3A_214 = vector.broadcast %jit3A_213 : i32 to vector<512x128xi32>
    %select_n3A_215 = arith.select %lt3A_211, %broadcast_in_dim3A_214, %select_n3A_202 : vector<512x128xi1>, vector<512x128xi32>
    %get3A_216 = arith.constant 0 : index
    %get3A_217 = arith.constant 2048 : index
    %get3A_218 = vector.load %arg4[%get3A_216, %get3A_217] : memref<1x8192xf32, #tpu.memory_space<vmem>>, vector<1x128xf32>
    %add3A_219 = vector.broadcast %broadcast_in_dim3A : vector<512x1xf32> to vector<512x128xf32>
    %add3A_220 = vector.broadcast %get3A_218 : vector<1x128xf32> to vector<512x128xf32>
    %add3A_221 = arith.addf %add3A_219, %add3A_220 : vector<512x128xf32>
    %slice3A_222 = vector.extract_strided_slice %dot_general3A_8 {offsets = [0, 2048], sizes = [512, 128], strides = [1, 1]} : vector<512x8192xf32> to vector<512x128xf32>
    %sub3A_223 = arith.subf %add3A_221, %slice3A_222 : vector<512x128xf32>
    %lt3A_224 = arith.cmpf olt, %sub3A_223, %select_n3A_212 : vector<512x128xf32>
    %select_n3A_225 = arith.select %lt3A_224, %sub3A_223, %select_n3A_212 : vector<512x128xi1>, vector<512x128xf32>
    %jit3A_226 = arith.constant 16 : i32
    %broadcast_in_dim3A_227 = vector.broadcast %jit3A_226 : i32 to vector<512x128xi32>
    %select_n3A_228 = arith.select %lt3A_224, %broadcast_in_dim3A_227, %select_n3A_215 : vector<512x128xi1>, vector<512x128xi32>
    %get3A_229 = arith.constant 0 : index
    %get3A_230 = arith.constant 2176 : index
    %get3A_231 = vector.load %arg4[%get3A_229, %get3A_230] : memref<1x8192xf32, #tpu.memory_space<vmem>>, vector<1x128xf32>
    %add3A_232 = vector.broadcast %broadcast_in_dim3A : vector<512x1xf32> to vector<512x128xf32>
    %add3A_233 = vector.broadcast %get3A_231 : vector<1x128xf32> to vector<512x128xf32>
    %add3A_234 = arith.addf %add3A_232, %add3A_233 : vector<512x128xf32>
    %slice3A_235 = vector.extract_strided_slice %dot_general3A_8 {offsets = [0, 2176], sizes = [512, 128], strides = [1, 1]} : vector<512x8192xf32> to vector<512x128xf32>
    %sub3A_236 = arith.subf %add3A_234, %slice3A_235 : vector<512x128xf32>
    %lt3A_237 = arith.cmpf olt, %sub3A_236, %select_n3A_225 : vector<512x128xf32>
    %select_n3A_238 = arith.select %lt3A_237, %sub3A_236, %select_n3A_225 : vector<512x128xi1>, vector<512x128xf32>
    %jit3A_239 = arith.constant 17 : i32
    %broadcast_in_dim3A_240 = vector.broadcast %jit3A_239 : i32 to vector<512x128xi32>
    %select_n3A_241 = arith.select %lt3A_237, %broadcast_in_dim3A_240, %select_n3A_228 : vector<512x128xi1>, vector<512x128xi32>
    %get3A_242 = arith.constant 0 : index
    %get3A_243 = arith.constant 2304 : index
    %get3A_244 = vector.load %arg4[%get3A_242, %get3A_243] : memref<1x8192xf32, #tpu.memory_space<vmem>>, vector<1x128xf32>
    %add3A_245 = vector.broadcast %broadcast_in_dim3A : vector<512x1xf32> to vector<512x128xf32>
    %add3A_246 = vector.broadcast %get3A_244 : vector<1x128xf32> to vector<512x128xf32>
    %add3A_247 = arith.addf %add3A_245, %add3A_246 : vector<512x128xf32>
    %slice3A_248 = vector.extract_strided_slice %dot_general3A_8 {offsets = [0, 2304], sizes = [512, 128], strides = [1, 1]} : vector<512x8192xf32> to vector<512x128xf32>
    %sub3A_249 = arith.subf %add3A_247, %slice3A_248 : vector<512x128xf32>
    %lt3A_250 = arith.cmpf olt, %sub3A_249, %select_n3A_238 : vector<512x128xf32>
    %select_n3A_251 = arith.select %lt3A_250, %sub3A_249, %select_n3A_238 : vector<512x128xi1>, vector<512x128xf32>
    %jit3A_252 = arith.constant 18 : i32
    %broadcast_in_dim3A_253 = vector.broadcast %jit3A_252 : i32 to vector<512x128xi32>
    %select_n3A_254 = arith.select %lt3A_250, %broadcast_in_dim3A_253, %select_n3A_241 : vector<512x128xi1>, vector<512x128xi32>
    %get3A_255 = arith.constant 0 : index
    %get3A_256 = arith.constant 2432 : index
    %get3A_257 = vector.load %arg4[%get3A_255, %get3A_256] : memref<1x8192xf32, #tpu.memory_space<vmem>>, vector<1x128xf32>
    %add3A_258 = vector.broadcast %broadcast_in_dim3A : vector<512x1xf32> to vector<512x128xf32>
    %add3A_259 = vector.broadcast %get3A_257 : vector<1x128xf32> to vector<512x128xf32>
    %add3A_260 = arith.addf %add3A_258, %add3A_259 : vector<512x128xf32>
    %slice3A_261 = vector.extract_strided_slice %dot_general3A_8 {offsets = [0, 2432], sizes = [512, 128], strides = [1, 1]} : vector<512x8192xf32> to vector<512x128xf32>
    %sub3A_262 = arith.subf %add3A_260, %slice3A_261 : vector<512x128xf32>
    %lt3A_263 = arith.cmpf olt, %sub3A_262, %select_n3A_251 : vector<512x128xf32>
    %select_n3A_264 = arith.select %lt3A_263, %sub3A_262, %select_n3A_251 : vector<512x128xi1>, vector<512x128xf32>
    %jit3A_265 = arith.constant 19 : i32
    %broadcast_in_dim3A_266 = vector.broadcast %jit3A_265 : i32 to vector<512x128xi32>
    %select_n3A_267 = arith.select %lt3A_263, %broadcast_in_dim3A_266, %select_n3A_254 : vector<512x128xi1>, vector<512x128xi32>
    %get3A_268 = arith.constant 0 : index
    %get3A_269 = arith.constant 2560 : index
    %get3A_270 = vector.load %arg4[%get3A_268, %get3A_269] : memref<1x8192xf32, #tpu.memory_space<vmem>>, vector<1x128xf32>
    %add3A_271 = vector.broadcast %broadcast_in_dim3A : vector<512x1xf32> to vector<512x128xf32>
    %add3A_272 = vector.broadcast %get3A_270 : vector<1x128xf32> to vector<512x128xf32>
    %add3A_273 = arith.addf %add3A_271, %add3A_272 : vector<512x128xf32>
    %slice3A_274 = vector.extract_strided_slice %dot_general3A_8 {offsets = [0, 2560], sizes = [512, 128], strides = [1, 1]} : vector<512x8192xf32> to vector<512x128xf32>
    %sub3A_275 = arith.subf %add3A_273, %slice3A_274 : vector<512x128xf32>
    %lt3A_276 = arith.cmpf olt, %sub3A_275, %select_n3A_264 : vector<512x128xf32>
    %select_n3A_277 = arith.select %lt3A_276, %sub3A_275, %select_n3A_264 : vector<512x128xi1>, vector<512x128xf32>
    %jit3A_278 = arith.constant 20 : i32
    %broadcast_in_dim3A_279 = vector.broadcast %jit3A_278 : i32 to vector<512x128xi32>
    %select_n3A_280 = arith.select %lt3A_276, %broadcast_in_dim3A_279, %select_n3A_267 : vector<512x128xi1>, vector<512x128xi32>
    %get3A_281 = arith.constant 0 : index
    %get3A_282 = arith.constant 2688 : index
    %get3A_283 = vector.load %arg4[%get3A_281, %get3A_282] : memref<1x8192xf32, #tpu.memory_space<vmem>>, vector<1x128xf32>
    %add3A_284 = vector.broadcast %broadcast_in_dim3A : vector<512x1xf32> to vector<512x128xf32>
    %add3A_285 = vector.broadcast %get3A_283 : vector<1x128xf32> to vector<512x128xf32>
    %add3A_286 = arith.addf %add3A_284, %add3A_285 : vector<512x128xf32>
    %slice3A_287 = vector.extract_strided_slice %dot_general3A_8 {offsets = [0, 2688], sizes = [512, 128], strides = [1, 1]} : vector<512x8192xf32> to vector<512x128xf32>
    %sub3A_288 = arith.subf %add3A_286, %slice3A_287 : vector<512x128xf32>
    %lt3A_289 = arith.cmpf olt, %sub3A_288, %select_n3A_277 : vector<512x128xf32>
    %select_n3A_290 = arith.select %lt3A_289, %sub3A_288, %select_n3A_277 : vector<512x128xi1>, vector<512x128xf32>
    %jit3A_291 = arith.constant 21 : i32
    %broadcast_in_dim3A_292 = vector.broadcast %jit3A_291 : i32 to vector<512x128xi32>
    %select_n3A_293 = arith.select %lt3A_289, %broadcast_in_dim3A_292, %select_n3A_280 : vector<512x128xi1>, vector<512x128xi32>
    %get3A_294 = arith.constant 0 : index
    %get3A_295 = arith.constant 2816 : index
    %get3A_296 = vector.load %arg4[%get3A_294, %get3A_295] : memref<1x8192xf32, #tpu.memory_space<vmem>>, vector<1x128xf32>
    %add3A_297 = vector.broadcast %broadcast_in_dim3A : vector<512x1xf32> to vector<512x128xf32>
    %add3A_298 = vector.broadcast %get3A_296 : vector<1x128xf32> to vector<512x128xf32>
    %add3A_299 = arith.addf %add3A_297, %add3A_298 : vector<512x128xf32>
    %slice3A_300 = vector.extract_strided_slice %dot_general3A_8 {offsets = [0, 2816], sizes = [512, 128], strides = [1, 1]} : vector<512x8192xf32> to vector<512x128xf32>
    %sub3A_301 = arith.subf %add3A_299, %slice3A_300 : vector<512x128xf32>
    %lt3A_302 = arith.cmpf olt, %sub3A_301, %select_n3A_290 : vector<512x128xf32>
    %select_n3A_303 = arith.select %lt3A_302, %sub3A_301, %select_n3A_290 : vector<512x128xi1>, vector<512x128xf32>
    %jit3A_304 = arith.constant 22 : i32
    %broadcast_in_dim3A_305 = vector.broadcast %jit3A_304 : i32 to vector<512x128xi32>
    %select_n3A_306 = arith.select %lt3A_302, %broadcast_in_dim3A_305, %select_n3A_293 : vector<512x128xi1>, vector<512x128xi32>
    %get3A_307 = arith.constant 0 : index
    %get3A_308 = arith.constant 2944 : index
    %get3A_309 = vector.load %arg4[%get3A_307, %get3A_308] : memref<1x8192xf32, #tpu.memory_space<vmem>>, vector<1x128xf32>
    %add3A_310 = vector.broadcast %broadcast_in_dim3A : vector<512x1xf32> to vector<512x128xf32>
    %add3A_311 = vector.broadcast %get3A_309 : vector<1x128xf32> to vector<512x128xf32>
    %add3A_312 = arith.addf %add3A_310, %add3A_311 : vector<512x128xf32>
    %slice3A_313 = vector.extract_strided_slice %dot_general3A_8 {offsets = [0, 2944], sizes = [512, 128], strides = [1, 1]} : vector<512x8192xf32> to vector<512x128xf32>
    %sub3A_314 = arith.subf %add3A_312, %slice3A_313 : vector<512x128xf32>
    %lt3A_315 = arith.cmpf olt, %sub3A_314, %select_n3A_303 : vector<512x128xf32>
    %select_n3A_316 = arith.select %lt3A_315, %sub3A_314, %select_n3A_303 : vector<512x128xi1>, vector<512x128xf32>
    %jit3A_317 = arith.constant 23 : i32
    %broadcast_in_dim3A_318 = vector.broadcast %jit3A_317 : i32 to vector<512x128xi32>
    %select_n3A_319 = arith.select %lt3A_315, %broadcast_in_dim3A_318, %select_n3A_306 : vector<512x128xi1>, vector<512x128xi32>
    %get3A_320 = arith.constant 0 : index
    %get3A_321 = arith.constant 3072 : index
    %get3A_322 = vector.load %arg4[%get3A_320, %get3A_321] : memref<1x8192xf32, #tpu.memory_space<vmem>>, vector<1x128xf32>
    %add3A_323 = vector.broadcast %broadcast_in_dim3A : vector<512x1xf32> to vector<512x128xf32>
    %add3A_324 = vector.broadcast %get3A_322 : vector<1x128xf32> to vector<512x128xf32>
    %add3A_325 = arith.addf %add3A_323, %add3A_324 : vector<512x128xf32>
    %slice3A_326 = vector.extract_strided_slice %dot_general3A_8 {offsets = [0, 3072], sizes = [512, 128], strides = [1, 1]} : vector<512x8192xf32> to vector<512x128xf32>
    %sub3A_327 = arith.subf %add3A_325, %slice3A_326 : vector<512x128xf32>
    %lt3A_328 = arith.cmpf olt, %sub3A_327, %select_n3A_316 : vector<512x128xf32>
    %select_n3A_329 = arith.select %lt3A_328, %sub3A_327, %select_n3A_316 : vector<512x128xi1>, vector<512x128xf32>
    %jit3A_330 = arith.constant 24 : i32
    %broadcast_in_dim3A_331 = vector.broadcast %jit3A_330 : i32 to vector<512x128xi32>
    %select_n3A_332 = arith.select %lt3A_328, %broadcast_in_dim3A_331, %select_n3A_319 : vector<512x128xi1>, vector<512x128xi32>
    %get3A_333 = arith.constant 0 : index
    %get3A_334 = arith.constant 3200 : index
    %get3A_335 = vector.load %arg4[%get3A_333, %get3A_334] : memref<1x8192xf32, #tpu.memory_space<vmem>>, vector<1x128xf32>
    %add3A_336 = vector.broadcast %broadcast_in_dim3A : vector<512x1xf32> to vector<512x128xf32>
    %add3A_337 = vector.broadcast %get3A_335 : vector<1x128xf32> to vector<512x128xf32>
    %add3A_338 = arith.addf %add3A_336, %add3A_337 : vector<512x128xf32>
    %slice3A_339 = vector.extract_strided_slice %dot_general3A_8 {offsets = [0, 3200], sizes = [512, 128], strides = [1, 1]} : vector<512x8192xf32> to vector<512x128xf32>
    %sub3A_340 = arith.subf %add3A_338, %slice3A_339 : vector<512x128xf32>
    %lt3A_341 = arith.cmpf olt, %sub3A_340, %select_n3A_329 : vector<512x128xf32>
    %select_n3A_342 = arith.select %lt3A_341, %sub3A_340, %select_n3A_329 : vector<512x128xi1>, vector<512x128xf32>
    %jit3A_343 = arith.constant 25 : i32
    %broadcast_in_dim3A_344 = vector.broadcast %jit3A_343 : i32 to vector<512x128xi32>
    %select_n3A_345 = arith.select %lt3A_341, %broadcast_in_dim3A_344, %select_n3A_332 : vector<512x128xi1>, vector<512x128xi32>
    %get3A_346 = arith.constant 0 : index
    %get3A_347 = arith.constant 3328 : index
    %get3A_348 = vector.load %arg4[%get3A_346, %get3A_347] : memref<1x8192xf32, #tpu.memory_space<vmem>>, vector<1x128xf32>
    %add3A_349 = vector.broadcast %broadcast_in_dim3A : vector<512x1xf32> to vector<512x128xf32>
    %add3A_350 = vector.broadcast %get3A_348 : vector<1x128xf32> to vector<512x128xf32>
    %add3A_351 = arith.addf %add3A_349, %add3A_350 : vector<512x128xf32>
    %slice3A_352 = vector.extract_strided_slice %dot_general3A_8 {offsets = [0, 3328], sizes = [512, 128], strides = [1, 1]} : vector<512x8192xf32> to vector<512x128xf32>
    %sub3A_353 = arith.subf %add3A_351, %slice3A_352 : vector<512x128xf32>
    %lt3A_354 = arith.cmpf olt, %sub3A_353, %select_n3A_342 : vector<512x128xf32>
    %select_n3A_355 = arith.select %lt3A_354, %sub3A_353, %select_n3A_342 : vector<512x128xi1>, vector<512x128xf32>
    %jit3A_356 = arith.constant 26 : i32
    %broadcast_in_dim3A_357 = vector.broadcast %jit3A_356 : i32 to vector<512x128xi32>
    %select_n3A_358 = arith.select %lt3A_354, %broadcast_in_dim3A_357, %select_n3A_345 : vector<512x128xi1>, vector<512x128xi32>
    %get3A_359 = arith.constant 0 : index
    %get3A_360 = arith.constant 3456 : index
    %get3A_361 = vector.load %arg4[%get3A_359, %get3A_360] : memref<1x8192xf32, #tpu.memory_space<vmem>>, vector<1x128xf32>
    %add3A_362 = vector.broadcast %broadcast_in_dim3A : vector<512x1xf32> to vector<512x128xf32>
    %add3A_363 = vector.broadcast %get3A_361 : vector<1x128xf32> to vector<512x128xf32>
    %add3A_364 = arith.addf %add3A_362, %add3A_363 : vector<512x128xf32>
    %slice3A_365 = vector.extract_strided_slice %dot_general3A_8 {offsets = [0, 3456], sizes = [512, 128], strides = [1, 1]} : vector<512x8192xf32> to vector<512x128xf32>
    %sub3A_366 = arith.subf %add3A_364, %slice3A_365 : vector<512x128xf32>
    %lt3A_367 = arith.cmpf olt, %sub3A_366, %select_n3A_355 : vector<512x128xf32>
    %select_n3A_368 = arith.select %lt3A_367, %sub3A_366, %select_n3A_355 : vector<512x128xi1>, vector<512x128xf32>
    %jit3A_369 = arith.constant 27 : i32
    %broadcast_in_dim3A_370 = vector.broadcast %jit3A_369 : i32 to vector<512x128xi32>
    %select_n3A_371 = arith.select %lt3A_367, %broadcast_in_dim3A_370, %select_n3A_358 : vector<512x128xi1>, vector<512x128xi32>
    %get3A_372 = arith.constant 0 : index
    %get3A_373 = arith.constant 3584 : index
    %get3A_374 = vector.load %arg4[%get3A_372, %get3A_373] : memref<1x8192xf32, #tpu.memory_space<vmem>>, vector<1x128xf32>
    %add3A_375 = vector.broadcast %broadcast_in_dim3A : vector<512x1xf32> to vector<512x128xf32>
    %add3A_376 = vector.broadcast %get3A_374 : vector<1x128xf32> to vector<512x128xf32>
    %add3A_377 = arith.addf %add3A_375, %add3A_376 : vector<512x128xf32>
    %slice3A_378 = vector.extract_strided_slice %dot_general3A_8 {offsets = [0, 3584], sizes = [512, 128], strides = [1, 1]} : vector<512x8192xf32> to vector<512x128xf32>
    %sub3A_379 = arith.subf %add3A_377, %slice3A_378 : vector<512x128xf32>
    %lt3A_380 = arith.cmpf olt, %sub3A_379, %select_n3A_368 : vector<512x128xf32>
    %select_n3A_381 = arith.select %lt3A_380, %sub3A_379, %select_n3A_368 : vector<512x128xi1>, vector<512x128xf32>
    %jit3A_382 = arith.constant 28 : i32
    %broadcast_in_dim3A_383 = vector.broadcast %jit3A_382 : i32 to vector<512x128xi32>
    %select_n3A_384 = arith.select %lt3A_380, %broadcast_in_dim3A_383, %select_n3A_371 : vector<512x128xi1>, vector<512x128xi32>
    %get3A_385 = arith.constant 0 : index
    %get3A_386 = arith.constant 3712 : index
    %get3A_387 = vector.load %arg4[%get3A_385, %get3A_386] : memref<1x8192xf32, #tpu.memory_space<vmem>>, vector<1x128xf32>
    %add3A_388 = vector.broadcast %broadcast_in_dim3A : vector<512x1xf32> to vector<512x128xf32>
    %add3A_389 = vector.broadcast %get3A_387 : vector<1x128xf32> to vector<512x128xf32>
    %add3A_390 = arith.addf %add3A_388, %add3A_389 : vector<512x128xf32>
    %slice3A_391 = vector.extract_strided_slice %dot_general3A_8 {offsets = [0, 3712], sizes = [512, 128], strides = [1, 1]} : vector<512x8192xf32> to vector<512x128xf32>
    %sub3A_392 = arith.subf %add3A_390, %slice3A_391 : vector<512x128xf32>
    %lt3A_393 = arith.cmpf olt, %sub3A_392, %select_n3A_381 : vector<512x128xf32>
    %select_n3A_394 = arith.select %lt3A_393, %sub3A_392, %select_n3A_381 : vector<512x128xi1>, vector<512x128xf32>
    %jit3A_395 = arith.constant 29 : i32
    %broadcast_in_dim3A_396 = vector.broadcast %jit3A_395 : i32 to vector<512x128xi32>
    %select_n3A_397 = arith.select %lt3A_393, %broadcast_in_dim3A_396, %select_n3A_384 : vector<512x128xi1>, vector<512x128xi32>
    %get3A_398 = arith.constant 0 : index
    %get3A_399 = arith.constant 3840 : index
    %get3A_400 = vector.load %arg4[%get3A_398, %get3A_399] : memref<1x8192xf32, #tpu.memory_space<vmem>>, vector<1x128xf32>
    %add3A_401 = vector.broadcast %broadcast_in_dim3A : vector<512x1xf32> to vector<512x128xf32>
    %add3A_402 = vector.broadcast %get3A_400 : vector<1x128xf32> to vector<512x128xf32>
    %add3A_403 = arith.addf %add3A_401, %add3A_402 : vector<512x128xf32>
    %slice3A_404 = vector.extract_strided_slice %dot_general3A_8 {offsets = [0, 3840], sizes = [512, 128], strides = [1, 1]} : vector<512x8192xf32> to vector<512x128xf32>
    %sub3A_405 = arith.subf %add3A_403, %slice3A_404 : vector<512x128xf32>
    %lt3A_406 = arith.cmpf olt, %sub3A_405, %select_n3A_394 : vector<512x128xf32>
    %select_n3A_407 = arith.select %lt3A_406, %sub3A_405, %select_n3A_394 : vector<512x128xi1>, vector<512x128xf32>
    %jit3A_408 = arith.constant 30 : i32
    %broadcast_in_dim3A_409 = vector.broadcast %jit3A_408 : i32 to vector<512x128xi32>
    %select_n3A_410 = arith.select %lt3A_406, %broadcast_in_dim3A_409, %select_n3A_397 : vector<512x128xi1>, vector<512x128xi32>
    %get3A_411 = arith.constant 0 : index
    %get3A_412 = arith.constant 3968 : index
    %get3A_413 = vector.load %arg4[%get3A_411, %get3A_412] : memref<1x8192xf32, #tpu.memory_space<vmem>>, vector<1x128xf32>
    %add3A_414 = vector.broadcast %broadcast_in_dim3A : vector<512x1xf32> to vector<512x128xf32>
    %add3A_415 = vector.broadcast %get3A_413 : vector<1x128xf32> to vector<512x128xf32>
    %add3A_416 = arith.addf %add3A_414, %add3A_415 : vector<512x128xf32>
    %slice3A_417 = vector.extract_strided_slice %dot_general3A_8 {offsets = [0, 3968], sizes = [512, 128], strides = [1, 1]} : vector<512x8192xf32> to vector<512x128xf32>
    %sub3A_418 = arith.subf %add3A_416, %slice3A_417 : vector<512x128xf32>
    %lt3A_419 = arith.cmpf olt, %sub3A_418, %select_n3A_407 : vector<512x128xf32>
    %select_n3A_420 = arith.select %lt3A_419, %sub3A_418, %select_n3A_407 : vector<512x128xi1>, vector<512x128xf32>
    %jit3A_421 = arith.constant 31 : i32
    %broadcast_in_dim3A_422 = vector.broadcast %jit3A_421 : i32 to vector<512x128xi32>
    %select_n3A_423 = arith.select %lt3A_419, %broadcast_in_dim3A_422, %select_n3A_410 : vector<512x128xi1>, vector<512x128xi32>
    %get3A_424 = arith.constant 0 : index
    %get3A_425 = arith.constant 4096 : index
    %get3A_426 = vector.load %arg4[%get3A_424, %get3A_425] : memref<1x8192xf32, #tpu.memory_space<vmem>>, vector<1x128xf32>
    %add3A_427 = vector.broadcast %broadcast_in_dim3A : vector<512x1xf32> to vector<512x128xf32>
    %add3A_428 = vector.broadcast %get3A_426 : vector<1x128xf32> to vector<512x128xf32>
    %add3A_429 = arith.addf %add3A_427, %add3A_428 : vector<512x128xf32>
    %slice3A_430 = vector.extract_strided_slice %dot_general3A_8 {offsets = [0, 4096], sizes = [512, 128], strides = [1, 1]} : vector<512x8192xf32> to vector<512x128xf32>
    %sub3A_431 = arith.subf %add3A_429, %slice3A_430 : vector<512x128xf32>
    %lt3A_432 = arith.cmpf olt, %sub3A_431, %select_n3A_420 : vector<512x128xf32>
    %select_n3A_433 = arith.select %lt3A_432, %sub3A_431, %select_n3A_420 : vector<512x128xi1>, vector<512x128xf32>
    %jit3A_434 = arith.constant 32 : i32
    %broadcast_in_dim3A_435 = vector.broadcast %jit3A_434 : i32 to vector<512x128xi32>
    %select_n3A_436 = arith.select %lt3A_432, %broadcast_in_dim3A_435, %select_n3A_423 : vector<512x128xi1>, vector<512x128xi32>
    %get3A_437 = arith.constant 0 : index
    %get3A_438 = arith.constant 4224 : index
    %get3A_439 = vector.load %arg4[%get3A_437, %get3A_438] : memref<1x8192xf32, #tpu.memory_space<vmem>>, vector<1x128xf32>
    %add3A_440 = vector.broadcast %broadcast_in_dim3A : vector<512x1xf32> to vector<512x128xf32>
    %add3A_441 = vector.broadcast %get3A_439 : vector<1x128xf32> to vector<512x128xf32>
    %add3A_442 = arith.addf %add3A_440, %add3A_441 : vector<512x128xf32>
    %slice3A_443 = vector.extract_strided_slice %dot_general3A_8 {offsets = [0, 4224], sizes = [512, 128], strides = [1, 1]} : vector<512x8192xf32> to vector<512x128xf32>
    %sub3A_444 = arith.subf %add3A_442, %slice3A_443 : vector<512x128xf32>
    %lt3A_445 = arith.cmpf olt, %sub3A_444, %select_n3A_433 : vector<512x128xf32>
    %select_n3A_446 = arith.select %lt3A_445, %sub3A_444, %select_n3A_433 : vector<512x128xi1>, vector<512x128xf32>
    %jit3A_447 = arith.constant 33 : i32
    %broadcast_in_dim3A_448 = vector.broadcast %jit3A_447 : i32 to vector<512x128xi32>
    %select_n3A_449 = arith.select %lt3A_445, %broadcast_in_dim3A_448, %select_n3A_436 : vector<512x128xi1>, vector<512x128xi32>
    %get3A_450 = arith.constant 0 : index
    %get3A_451 = arith.constant 4352 : index
    %get3A_452 = vector.load %arg4[%get3A_450, %get3A_451] : memref<1x8192xf32, #tpu.memory_space<vmem>>, vector<1x128xf32>
    %add3A_453 = vector.broadcast %broadcast_in_dim3A : vector<512x1xf32> to vector<512x128xf32>
    %add3A_454 = vector.broadcast %get3A_452 : vector<1x128xf32> to vector<512x128xf32>
    %add3A_455 = arith.addf %add3A_453, %add3A_454 : vector<512x128xf32>
    %slice3A_456 = vector.extract_strided_slice %dot_general3A_8 {offsets = [0, 4352], sizes = [512, 128], strides = [1, 1]} : vector<512x8192xf32> to vector<512x128xf32>
    %sub3A_457 = arith.subf %add3A_455, %slice3A_456 : vector<512x128xf32>
    %lt3A_458 = arith.cmpf olt, %sub3A_457, %select_n3A_446 : vector<512x128xf32>
    %select_n3A_459 = arith.select %lt3A_458, %sub3A_457, %select_n3A_446 : vector<512x128xi1>, vector<512x128xf32>
    %jit3A_460 = arith.constant 34 : i32
    %broadcast_in_dim3A_461 = vector.broadcast %jit3A_460 : i32 to vector<512x128xi32>
    %select_n3A_462 = arith.select %lt3A_458, %broadcast_in_dim3A_461, %select_n3A_449 : vector<512x128xi1>, vector<512x128xi32>
    %get3A_463 = arith.constant 0 : index
    %get3A_464 = arith.constant 4480 : index
    %get3A_465 = vector.load %arg4[%get3A_463, %get3A_464] : memref<1x8192xf32, #tpu.memory_space<vmem>>, vector<1x128xf32>
    %add3A_466 = vector.broadcast %broadcast_in_dim3A : vector<512x1xf32> to vector<512x128xf32>
    %add3A_467 = vector.broadcast %get3A_465 : vector<1x128xf32> to vector<512x128xf32>
    %add3A_468 = arith.addf %add3A_466, %add3A_467 : vector<512x128xf32>
    %slice3A_469 = vector.extract_strided_slice %dot_general3A_8 {offsets = [0, 4480], sizes = [512, 128], strides = [1, 1]} : vector<512x8192xf32> to vector<512x128xf32>
    %sub3A_470 = arith.subf %add3A_468, %slice3A_469 : vector<512x128xf32>
    %lt3A_471 = arith.cmpf olt, %sub3A_470, %select_n3A_459 : vector<512x128xf32>
    %select_n3A_472 = arith.select %lt3A_471, %sub3A_470, %select_n3A_459 : vector<512x128xi1>, vector<512x128xf32>
    %jit3A_473 = arith.constant 35 : i32
    %broadcast_in_dim3A_474 = vector.broadcast %jit3A_473 : i32 to vector<512x128xi32>
    %select_n3A_475 = arith.select %lt3A_471, %broadcast_in_dim3A_474, %select_n3A_462 : vector<512x128xi1>, vector<512x128xi32>
    %get3A_476 = arith.constant 0 : index
    %get3A_477 = arith.constant 4608 : index
    %get3A_478 = vector.load %arg4[%get3A_476, %get3A_477] : memref<1x8192xf32, #tpu.memory_space<vmem>>, vector<1x128xf32>
    %add3A_479 = vector.broadcast %broadcast_in_dim3A : vector<512x1xf32> to vector<512x128xf32>
    %add3A_480 = vector.broadcast %get3A_478 : vector<1x128xf32> to vector<512x128xf32>
    %add3A_481 = arith.addf %add3A_479, %add3A_480 : vector<512x128xf32>
    %slice3A_482 = vector.extract_strided_slice %dot_general3A_8 {offsets = [0, 4608], sizes = [512, 128], strides = [1, 1]} : vector<512x8192xf32> to vector<512x128xf32>
    %sub3A_483 = arith.subf %add3A_481, %slice3A_482 : vector<512x128xf32>
    %lt3A_484 = arith.cmpf olt, %sub3A_483, %select_n3A_472 : vector<512x128xf32>
    %select_n3A_485 = arith.select %lt3A_484, %sub3A_483, %select_n3A_472 : vector<512x128xi1>, vector<512x128xf32>
    %jit3A_486 = arith.constant 36 : i32
    %broadcast_in_dim3A_487 = vector.broadcast %jit3A_486 : i32 to vector<512x128xi32>
    %select_n3A_488 = arith.select %lt3A_484, %broadcast_in_dim3A_487, %select_n3A_475 : vector<512x128xi1>, vector<512x128xi32>
    %get3A_489 = arith.constant 0 : index
    %get3A_490 = arith.constant 4736 : index
    %get3A_491 = vector.load %arg4[%get3A_489, %get3A_490] : memref<1x8192xf32, #tpu.memory_space<vmem>>, vector<1x128xf32>
    %add3A_492 = vector.broadcast %broadcast_in_dim3A : vector<512x1xf32> to vector<512x128xf32>
    %add3A_493 = vector.broadcast %get3A_491 : vector<1x128xf32> to vector<512x128xf32>
    %add3A_494 = arith.addf %add3A_492, %add3A_493 : vector<512x128xf32>
    %slice3A_495 = vector.extract_strided_slice %dot_general3A_8 {offsets = [0, 4736], sizes = [512, 128], strides = [1, 1]} : vector<512x8192xf32> to vector<512x128xf32>
    %sub3A_496 = arith.subf %add3A_494, %slice3A_495 : vector<512x128xf32>
    %lt3A_497 = arith.cmpf olt, %sub3A_496, %select_n3A_485 : vector<512x128xf32>
    %select_n3A_498 = arith.select %lt3A_497, %sub3A_496, %select_n3A_485 : vector<512x128xi1>, vector<512x128xf32>
    %jit3A_499 = arith.constant 37 : i32
    %broadcast_in_dim3A_500 = vector.broadcast %jit3A_499 : i32 to vector<512x128xi32>
    %select_n3A_501 = arith.select %lt3A_497, %broadcast_in_dim3A_500, %select_n3A_488 : vector<512x128xi1>, vector<512x128xi32>
    %get3A_502 = arith.constant 0 : index
    %get3A_503 = arith.constant 4864 : index
    %get3A_504 = vector.load %arg4[%get3A_502, %get3A_503] : memref<1x8192xf32, #tpu.memory_space<vmem>>, vector<1x128xf32>
    %add3A_505 = vector.broadcast %broadcast_in_dim3A : vector<512x1xf32> to vector<512x128xf32>
    %add3A_506 = vector.broadcast %get3A_504 : vector<1x128xf32> to vector<512x128xf32>
    %add3A_507 = arith.addf %add3A_505, %add3A_506 : vector<512x128xf32>
    %slice3A_508 = vector.extract_strided_slice %dot_general3A_8 {offsets = [0, 4864], sizes = [512, 128], strides = [1, 1]} : vector<512x8192xf32> to vector<512x128xf32>
    %sub3A_509 = arith.subf %add3A_507, %slice3A_508 : vector<512x128xf32>
    %lt3A_510 = arith.cmpf olt, %sub3A_509, %select_n3A_498 : vector<512x128xf32>
    %select_n3A_511 = arith.select %lt3A_510, %sub3A_509, %select_n3A_498 : vector<512x128xi1>, vector<512x128xf32>
    %jit3A_512 = arith.constant 38 : i32
    %broadcast_in_dim3A_513 = vector.broadcast %jit3A_512 : i32 to vector<512x128xi32>
    %select_n3A_514 = arith.select %lt3A_510, %broadcast_in_dim3A_513, %select_n3A_501 : vector<512x128xi1>, vector<512x128xi32>
    %get3A_515 = arith.constant 0 : index
    %get3A_516 = arith.constant 4992 : index
    %get3A_517 = vector.load %arg4[%get3A_515, %get3A_516] : memref<1x8192xf32, #tpu.memory_space<vmem>>, vector<1x128xf32>
    %add3A_518 = vector.broadcast %broadcast_in_dim3A : vector<512x1xf32> to vector<512x128xf32>
    %add3A_519 = vector.broadcast %get3A_517 : vector<1x128xf32> to vector<512x128xf32>
    %add3A_520 = arith.addf %add3A_518, %add3A_519 : vector<512x128xf32>
    %slice3A_521 = vector.extract_strided_slice %dot_general3A_8 {offsets = [0, 4992], sizes = [512, 128], strides = [1, 1]} : vector<512x8192xf32> to vector<512x128xf32>
    %sub3A_522 = arith.subf %add3A_520, %slice3A_521 : vector<512x128xf32>
    %lt3A_523 = arith.cmpf olt, %sub3A_522, %select_n3A_511 : vector<512x128xf32>
    %select_n3A_524 = arith.select %lt3A_523, %sub3A_522, %select_n3A_511 : vector<512x128xi1>, vector<512x128xf32>
    %jit3A_525 = arith.constant 39 : i32
    %broadcast_in_dim3A_526 = vector.broadcast %jit3A_525 : i32 to vector<512x128xi32>
    %select_n3A_527 = arith.select %lt3A_523, %broadcast_in_dim3A_526, %select_n3A_514 : vector<512x128xi1>, vector<512x128xi32>
    %get3A_528 = arith.constant 0 : index
    %get3A_529 = arith.constant 5120 : index
    %get3A_530 = vector.load %arg4[%get3A_528, %get3A_529] : memref<1x8192xf32, #tpu.memory_space<vmem>>, vector<1x128xf32>
    %add3A_531 = vector.broadcast %broadcast_in_dim3A : vector<512x1xf32> to vector<512x128xf32>
    %add3A_532 = vector.broadcast %get3A_530 : vector<1x128xf32> to vector<512x128xf32>
    %add3A_533 = arith.addf %add3A_531, %add3A_532 : vector<512x128xf32>
    %slice3A_534 = vector.extract_strided_slice %dot_general3A_8 {offsets = [0, 5120], sizes = [512, 128], strides = [1, 1]} : vector<512x8192xf32> to vector<512x128xf32>
    %sub3A_535 = arith.subf %add3A_533, %slice3A_534 : vector<512x128xf32>
    %lt3A_536 = arith.cmpf olt, %sub3A_535, %select_n3A_524 : vector<512x128xf32>
    %select_n3A_537 = arith.select %lt3A_536, %sub3A_535, %select_n3A_524 : vector<512x128xi1>, vector<512x128xf32>
    %jit3A_538 = arith.constant 40 : i32
    %broadcast_in_dim3A_539 = vector.broadcast %jit3A_538 : i32 to vector<512x128xi32>
    %select_n3A_540 = arith.select %lt3A_536, %broadcast_in_dim3A_539, %select_n3A_527 : vector<512x128xi1>, vector<512x128xi32>
    %get3A_541 = arith.constant 0 : index
    %get3A_542 = arith.constant 5248 : index
    %get3A_543 = vector.load %arg4[%get3A_541, %get3A_542] : memref<1x8192xf32, #tpu.memory_space<vmem>>, vector<1x128xf32>
    %add3A_544 = vector.broadcast %broadcast_in_dim3A : vector<512x1xf32> to vector<512x128xf32>
    %add3A_545 = vector.broadcast %get3A_543 : vector<1x128xf32> to vector<512x128xf32>
    %add3A_546 = arith.addf %add3A_544, %add3A_545 : vector<512x128xf32>
    %slice3A_547 = vector.extract_strided_slice %dot_general3A_8 {offsets = [0, 5248], sizes = [512, 128], strides = [1, 1]} : vector<512x8192xf32> to vector<512x128xf32>
    %sub3A_548 = arith.subf %add3A_546, %slice3A_547 : vector<512x128xf32>
    %lt3A_549 = arith.cmpf olt, %sub3A_548, %select_n3A_537 : vector<512x128xf32>
    %select_n3A_550 = arith.select %lt3A_549, %sub3A_548, %select_n3A_537 : vector<512x128xi1>, vector<512x128xf32>
    %jit3A_551 = arith.constant 41 : i32
    %broadcast_in_dim3A_552 = vector.broadcast %jit3A_551 : i32 to vector<512x128xi32>
    %select_n3A_553 = arith.select %lt3A_549, %broadcast_in_dim3A_552, %select_n3A_540 : vector<512x128xi1>, vector<512x128xi32>
    %get3A_554 = arith.constant 0 : index
    %get3A_555 = arith.constant 5376 : index
    %get3A_556 = vector.load %arg4[%get3A_554, %get3A_555] : memref<1x8192xf32, #tpu.memory_space<vmem>>, vector<1x128xf32>
    %add3A_557 = vector.broadcast %broadcast_in_dim3A : vector<512x1xf32> to vector<512x128xf32>
    %add3A_558 = vector.broadcast %get3A_556 : vector<1x128xf32> to vector<512x128xf32>
    %add3A_559 = arith.addf %add3A_557, %add3A_558 : vector<512x128xf32>
    %slice3A_560 = vector.extract_strided_slice %dot_general3A_8 {offsets = [0, 5376], sizes = [512, 128], strides = [1, 1]} : vector<512x8192xf32> to vector<512x128xf32>
    %sub3A_561 = arith.subf %add3A_559, %slice3A_560 : vector<512x128xf32>
    %lt3A_562 = arith.cmpf olt, %sub3A_561, %select_n3A_550 : vector<512x128xf32>
    %select_n3A_563 = arith.select %lt3A_562, %sub3A_561, %select_n3A_550 : vector<512x128xi1>, vector<512x128xf32>
    %jit3A_564 = arith.constant 42 : i32
    %broadcast_in_dim3A_565 = vector.broadcast %jit3A_564 : i32 to vector<512x128xi32>
    %select_n3A_566 = arith.select %lt3A_562, %broadcast_in_dim3A_565, %select_n3A_553 : vector<512x128xi1>, vector<512x128xi32>
    %get3A_567 = arith.constant 0 : index
    %get3A_568 = arith.constant 5504 : index
    %get3A_569 = vector.load %arg4[%get3A_567, %get3A_568] : memref<1x8192xf32, #tpu.memory_space<vmem>>, vector<1x128xf32>
    %add3A_570 = vector.broadcast %broadcast_in_dim3A : vector<512x1xf32> to vector<512x128xf32>
    %add3A_571 = vector.broadcast %get3A_569 : vector<1x128xf32> to vector<512x128xf32>
    %add3A_572 = arith.addf %add3A_570, %add3A_571 : vector<512x128xf32>
    %slice3A_573 = vector.extract_strided_slice %dot_general3A_8 {offsets = [0, 5504], sizes = [512, 128], strides = [1, 1]} : vector<512x8192xf32> to vector<512x128xf32>
    %sub3A_574 = arith.subf %add3A_572, %slice3A_573 : vector<512x128xf32>
    %lt3A_575 = arith.cmpf olt, %sub3A_574, %select_n3A_563 : vector<512x128xf32>
    %select_n3A_576 = arith.select %lt3A_575, %sub3A_574, %select_n3A_563 : vector<512x128xi1>, vector<512x128xf32>
    %jit3A_577 = arith.constant 43 : i32
    %broadcast_in_dim3A_578 = vector.broadcast %jit3A_577 : i32 to vector<512x128xi32>
    %select_n3A_579 = arith.select %lt3A_575, %broadcast_in_dim3A_578, %select_n3A_566 : vector<512x128xi1>, vector<512x128xi32>
    %get3A_580 = arith.constant 0 : index
    %get3A_581 = arith.constant 5632 : index
    %get3A_582 = vector.load %arg4[%get3A_580, %get3A_581] : memref<1x8192xf32, #tpu.memory_space<vmem>>, vector<1x128xf32>
    %add3A_583 = vector.broadcast %broadcast_in_dim3A : vector<512x1xf32> to vector<512x128xf32>
    %add3A_584 = vector.broadcast %get3A_582 : vector<1x128xf32> to vector<512x128xf32>
    %add3A_585 = arith.addf %add3A_583, %add3A_584 : vector<512x128xf32>
    %slice3A_586 = vector.extract_strided_slice %dot_general3A_8 {offsets = [0, 5632], sizes = [512, 128], strides = [1, 1]} : vector<512x8192xf32> to vector<512x128xf32>
    %sub3A_587 = arith.subf %add3A_585, %slice3A_586 : vector<512x128xf32>
    %lt3A_588 = arith.cmpf olt, %sub3A_587, %select_n3A_576 : vector<512x128xf32>
    %select_n3A_589 = arith.select %lt3A_588, %sub3A_587, %select_n3A_576 : vector<512x128xi1>, vector<512x128xf32>
    %jit3A_590 = arith.constant 44 : i32
    %broadcast_in_dim3A_591 = vector.broadcast %jit3A_590 : i32 to vector<512x128xi32>
    %select_n3A_592 = arith.select %lt3A_588, %broadcast_in_dim3A_591, %select_n3A_579 : vector<512x128xi1>, vector<512x128xi32>
    %get3A_593 = arith.constant 0 : index
    %get3A_594 = arith.constant 5760 : index
    %get3A_595 = vector.load %arg4[%get3A_593, %get3A_594] : memref<1x8192xf32, #tpu.memory_space<vmem>>, vector<1x128xf32>
    %add3A_596 = vector.broadcast %broadcast_in_dim3A : vector<512x1xf32> to vector<512x128xf32>
    %add3A_597 = vector.broadcast %get3A_595 : vector<1x128xf32> to vector<512x128xf32>
    %add3A_598 = arith.addf %add3A_596, %add3A_597 : vector<512x128xf32>
    %slice3A_599 = vector.extract_strided_slice %dot_general3A_8 {offsets = [0, 5760], sizes = [512, 128], strides = [1, 1]} : vector<512x8192xf32> to vector<512x128xf32>
    %sub3A_600 = arith.subf %add3A_598, %slice3A_599 : vector<512x128xf32>
    %lt3A_601 = arith.cmpf olt, %sub3A_600, %select_n3A_589 : vector<512x128xf32>
    %select_n3A_602 = arith.select %lt3A_601, %sub3A_600, %select_n3A_589 : vector<512x128xi1>, vector<512x128xf32>
    %jit3A_603 = arith.constant 45 : i32
    %broadcast_in_dim3A_604 = vector.broadcast %jit3A_603 : i32 to vector<512x128xi32>
    %select_n3A_605 = arith.select %lt3A_601, %broadcast_in_dim3A_604, %select_n3A_592 : vector<512x128xi1>, vector<512x128xi32>
    %get3A_606 = arith.constant 0 : index
    %get3A_607 = arith.constant 5888 : index
    %get3A_608 = vector.load %arg4[%get3A_606, %get3A_607] : memref<1x8192xf32, #tpu.memory_space<vmem>>, vector<1x128xf32>
    %add3A_609 = vector.broadcast %broadcast_in_dim3A : vector<512x1xf32> to vector<512x128xf32>
    %add3A_610 = vector.broadcast %get3A_608 : vector<1x128xf32> to vector<512x128xf32>
    %add3A_611 = arith.addf %add3A_609, %add3A_610 : vector<512x128xf32>
    %slice3A_612 = vector.extract_strided_slice %dot_general3A_8 {offsets = [0, 5888], sizes = [512, 128], strides = [1, 1]} : vector<512x8192xf32> to vector<512x128xf32>
    %sub3A_613 = arith.subf %add3A_611, %slice3A_612 : vector<512x128xf32>
    %lt3A_614 = arith.cmpf olt, %sub3A_613, %select_n3A_602 : vector<512x128xf32>
    %select_n3A_615 = arith.select %lt3A_614, %sub3A_613, %select_n3A_602 : vector<512x128xi1>, vector<512x128xf32>
    %jit3A_616 = arith.constant 46 : i32
    %broadcast_in_dim3A_617 = vector.broadcast %jit3A_616 : i32 to vector<512x128xi32>
    %select_n3A_618 = arith.select %lt3A_614, %broadcast_in_dim3A_617, %select_n3A_605 : vector<512x128xi1>, vector<512x128xi32>
    %get3A_619 = arith.constant 0 : index
    %get3A_620 = arith.constant 6016 : index
    %get3A_621 = vector.load %arg4[%get3A_619, %get3A_620] : memref<1x8192xf32, #tpu.memory_space<vmem>>, vector<1x128xf32>
    %add3A_622 = vector.broadcast %broadcast_in_dim3A : vector<512x1xf32> to vector<512x128xf32>
    %add3A_623 = vector.broadcast %get3A_621 : vector<1x128xf32> to vector<512x128xf32>
    %add3A_624 = arith.addf %add3A_622, %add3A_623 : vector<512x128xf32>
    %slice3A_625 = vector.extract_strided_slice %dot_general3A_8 {offsets = [0, 6016], sizes = [512, 128], strides = [1, 1]} : vector<512x8192xf32> to vector<512x128xf32>
    %sub3A_626 = arith.subf %add3A_624, %slice3A_625 : vector<512x128xf32>
    %lt3A_627 = arith.cmpf olt, %sub3A_626, %select_n3A_615 : vector<512x128xf32>
    %select_n3A_628 = arith.select %lt3A_627, %sub3A_626, %select_n3A_615 : vector<512x128xi1>, vector<512x128xf32>
    %jit3A_629 = arith.constant 47 : i32
    %broadcast_in_dim3A_630 = vector.broadcast %jit3A_629 : i32 to vector<512x128xi32>
    %select_n3A_631 = arith.select %lt3A_627, %broadcast_in_dim3A_630, %select_n3A_618 : vector<512x128xi1>, vector<512x128xi32>
    %get3A_632 = arith.constant 0 : index
    %get3A_633 = arith.constant 6144 : index
    %get3A_634 = vector.load %arg4[%get3A_632, %get3A_633] : memref<1x8192xf32, #tpu.memory_space<vmem>>, vector<1x128xf32>
    %add3A_635 = vector.broadcast %broadcast_in_dim3A : vector<512x1xf32> to vector<512x128xf32>
    %add3A_636 = vector.broadcast %get3A_634 : vector<1x128xf32> to vector<512x128xf32>
    %add3A_637 = arith.addf %add3A_635, %add3A_636 : vector<512x128xf32>
    %slice3A_638 = vector.extract_strided_slice %dot_general3A_8 {offsets = [0, 6144], sizes = [512, 128], strides = [1, 1]} : vector<512x8192xf32> to vector<512x128xf32>
    %sub3A_639 = arith.subf %add3A_637, %slice3A_638 : vector<512x128xf32>
    %lt3A_640 = arith.cmpf olt, %sub3A_639, %select_n3A_628 : vector<512x128xf32>
    %select_n3A_641 = arith.select %lt3A_640, %sub3A_639, %select_n3A_628 : vector<512x128xi1>, vector<512x128xf32>
    %jit3A_642 = arith.constant 48 : i32
    %broadcast_in_dim3A_643 = vector.broadcast %jit3A_642 : i32 to vector<512x128xi32>
    %select_n3A_644 = arith.select %lt3A_640, %broadcast_in_dim3A_643, %select_n3A_631 : vector<512x128xi1>, vector<512x128xi32>
    %get3A_645 = arith.constant 0 : index
    %get3A_646 = arith.constant 6272 : index
    %get3A_647 = vector.load %arg4[%get3A_645, %get3A_646] : memref<1x8192xf32, #tpu.memory_space<vmem>>, vector<1x128xf32>
    %add3A_648 = vector.broadcast %broadcast_in_dim3A : vector<512x1xf32> to vector<512x128xf32>
    %add3A_649 = vector.broadcast %get3A_647 : vector<1x128xf32> to vector<512x128xf32>
    %add3A_650 = arith.addf %add3A_648, %add3A_649 : vector<512x128xf32>
    %slice3A_651 = vector.extract_strided_slice %dot_general3A_8 {offsets = [0, 6272], sizes = [512, 128], strides = [1, 1]} : vector<512x8192xf32> to vector<512x128xf32>
    %sub3A_652 = arith.subf %add3A_650, %slice3A_651 : vector<512x128xf32>
    %lt3A_653 = arith.cmpf olt, %sub3A_652, %select_n3A_641 : vector<512x128xf32>
    %select_n3A_654 = arith.select %lt3A_653, %sub3A_652, %select_n3A_641 : vector<512x128xi1>, vector<512x128xf32>
    %jit3A_655 = arith.constant 49 : i32
    %broadcast_in_dim3A_656 = vector.broadcast %jit3A_655 : i32 to vector<512x128xi32>
    %select_n3A_657 = arith.select %lt3A_653, %broadcast_in_dim3A_656, %select_n3A_644 : vector<512x128xi1>, vector<512x128xi32>
    %get3A_658 = arith.constant 0 : index
    %get3A_659 = arith.constant 6400 : index
    %get3A_660 = vector.load %arg4[%get3A_658, %get3A_659] : memref<1x8192xf32, #tpu.memory_space<vmem>>, vector<1x128xf32>
    %add3A_661 = vector.broadcast %broadcast_in_dim3A : vector<512x1xf32> to vector<512x128xf32>
    %add3A_662 = vector.broadcast %get3A_660 : vector<1x128xf32> to vector<512x128xf32>
    %add3A_663 = arith.addf %add3A_661, %add3A_662 : vector<512x128xf32>
    %slice3A_664 = vector.extract_strided_slice %dot_general3A_8 {offsets = [0, 6400], sizes = [512, 128], strides = [1, 1]} : vector<512x8192xf32> to vector<512x128xf32>
    %sub3A_665 = arith.subf %add3A_663, %slice3A_664 : vector<512x128xf32>
    %lt3A_666 = arith.cmpf olt, %sub3A_665, %select_n3A_654 : vector<512x128xf32>
    %select_n3A_667 = arith.select %lt3A_666, %sub3A_665, %select_n3A_654 : vector<512x128xi1>, vector<512x128xf32>
    %jit3A_668 = arith.constant 50 : i32
    %broadcast_in_dim3A_669 = vector.broadcast %jit3A_668 : i32 to vector<512x128xi32>
    %select_n3A_670 = arith.select %lt3A_666, %broadcast_in_dim3A_669, %select_n3A_657 : vector<512x128xi1>, vector<512x128xi32>
    %get3A_671 = arith.constant 0 : index
    %get3A_672 = arith.constant 6528 : index
    %get3A_673 = vector.load %arg4[%get3A_671, %get3A_672] : memref<1x8192xf32, #tpu.memory_space<vmem>>, vector<1x128xf32>
    %add3A_674 = vector.broadcast %broadcast_in_dim3A : vector<512x1xf32> to vector<512x128xf32>
    %add3A_675 = vector.broadcast %get3A_673 : vector<1x128xf32> to vector<512x128xf32>
    %add3A_676 = arith.addf %add3A_674, %add3A_675 : vector<512x128xf32>
    %slice3A_677 = vector.extract_strided_slice %dot_general3A_8 {offsets = [0, 6528], sizes = [512, 128], strides = [1, 1]} : vector<512x8192xf32> to vector<512x128xf32>
    %sub3A_678 = arith.subf %add3A_676, %slice3A_677 : vector<512x128xf32>
    %lt3A_679 = arith.cmpf olt, %sub3A_678, %select_n3A_667 : vector<512x128xf32>
    %select_n3A_680 = arith.select %lt3A_679, %sub3A_678, %select_n3A_667 : vector<512x128xi1>, vector<512x128xf32>
    %jit3A_681 = arith.constant 51 : i32
    %broadcast_in_dim3A_682 = vector.broadcast %jit3A_681 : i32 to vector<512x128xi32>
    %select_n3A_683 = arith.select %lt3A_679, %broadcast_in_dim3A_682, %select_n3A_670 : vector<512x128xi1>, vector<512x128xi32>
    %get3A_684 = arith.constant 0 : index
    %get3A_685 = arith.constant 6656 : index
    %get3A_686 = vector.load %arg4[%get3A_684, %get3A_685] : memref<1x8192xf32, #tpu.memory_space<vmem>>, vector<1x128xf32>
    %add3A_687 = vector.broadcast %broadcast_in_dim3A : vector<512x1xf32> to vector<512x128xf32>
    %add3A_688 = vector.broadcast %get3A_686 : vector<1x128xf32> to vector<512x128xf32>
    %add3A_689 = arith.addf %add3A_687, %add3A_688 : vector<512x128xf32>
    %slice3A_690 = vector.extract_strided_slice %dot_general3A_8 {offsets = [0, 6656], sizes = [512, 128], strides = [1, 1]} : vector<512x8192xf32> to vector<512x128xf32>
    %sub3A_691 = arith.subf %add3A_689, %slice3A_690 : vector<512x128xf32>
    %lt3A_692 = arith.cmpf olt, %sub3A_691, %select_n3A_680 : vector<512x128xf32>
    %select_n3A_693 = arith.select %lt3A_692, %sub3A_691, %select_n3A_680 : vector<512x128xi1>, vector<512x128xf32>
    %jit3A_694 = arith.constant 52 : i32
    %broadcast_in_dim3A_695 = vector.broadcast %jit3A_694 : i32 to vector<512x128xi32>
    %select_n3A_696 = arith.select %lt3A_692, %broadcast_in_dim3A_695, %select_n3A_683 : vector<512x128xi1>, vector<512x128xi32>
    %get3A_697 = arith.constant 0 : index
    %get3A_698 = arith.constant 6784 : index
    %get3A_699 = vector.load %arg4[%get3A_697, %get3A_698] : memref<1x8192xf32, #tpu.memory_space<vmem>>, vector<1x128xf32>
    %add3A_700 = vector.broadcast %broadcast_in_dim3A : vector<512x1xf32> to vector<512x128xf32>
    %add3A_701 = vector.broadcast %get3A_699 : vector<1x128xf32> to vector<512x128xf32>
    %add3A_702 = arith.addf %add3A_700, %add3A_701 : vector<512x128xf32>
    %slice3A_703 = vector.extract_strided_slice %dot_general3A_8 {offsets = [0, 6784], sizes = [512, 128], strides = [1, 1]} : vector<512x8192xf32> to vector<512x128xf32>
    %sub3A_704 = arith.subf %add3A_702, %slice3A_703 : vector<512x128xf32>
    %lt3A_705 = arith.cmpf olt, %sub3A_704, %select_n3A_693 : vector<512x128xf32>
    %select_n3A_706 = arith.select %lt3A_705, %sub3A_704, %select_n3A_693 : vector<512x128xi1>, vector<512x128xf32>
    %jit3A_707 = arith.constant 53 : i32
    %broadcast_in_dim3A_708 = vector.broadcast %jit3A_707 : i32 to vector<512x128xi32>
    %select_n3A_709 = arith.select %lt3A_705, %broadcast_in_dim3A_708, %select_n3A_696 : vector<512x128xi1>, vector<512x128xi32>
    %get3A_710 = arith.constant 0 : index
    %get3A_711 = arith.constant 6912 : index
    %get3A_712 = vector.load %arg4[%get3A_710, %get3A_711] : memref<1x8192xf32, #tpu.memory_space<vmem>>, vector<1x128xf32>
    %add3A_713 = vector.broadcast %broadcast_in_dim3A : vector<512x1xf32> to vector<512x128xf32>
    %add3A_714 = vector.broadcast %get3A_712 : vector<1x128xf32> to vector<512x128xf32>
    %add3A_715 = arith.addf %add3A_713, %add3A_714 : vector<512x128xf32>
    %slice3A_716 = vector.extract_strided_slice %dot_general3A_8 {offsets = [0, 6912], sizes = [512, 128], strides = [1, 1]} : vector<512x8192xf32> to vector<512x128xf32>
    %sub3A_717 = arith.subf %add3A_715, %slice3A_716 : vector<512x128xf32>
    %lt3A_718 = arith.cmpf olt, %sub3A_717, %select_n3A_706 : vector<512x128xf32>
    %select_n3A_719 = arith.select %lt3A_718, %sub3A_717, %select_n3A_706 : vector<512x128xi1>, vector<512x128xf32>
    %jit3A_720 = arith.constant 54 : i32
    %broadcast_in_dim3A_721 = vector.broadcast %jit3A_720 : i32 to vector<512x128xi32>
    %select_n3A_722 = arith.select %lt3A_718, %broadcast_in_dim3A_721, %select_n3A_709 : vector<512x128xi1>, vector<512x128xi32>
    %get3A_723 = arith.constant 0 : index
    %get3A_724 = arith.constant 7040 : index
    %get3A_725 = vector.load %arg4[%get3A_723, %get3A_724] : memref<1x8192xf32, #tpu.memory_space<vmem>>, vector<1x128xf32>
    %add3A_726 = vector.broadcast %broadcast_in_dim3A : vector<512x1xf32> to vector<512x128xf32>
    %add3A_727 = vector.broadcast %get3A_725 : vector<1x128xf32> to vector<512x128xf32>
    %add3A_728 = arith.addf %add3A_726, %add3A_727 : vector<512x128xf32>
    %slice3A_729 = vector.extract_strided_slice %dot_general3A_8 {offsets = [0, 7040], sizes = [512, 128], strides = [1, 1]} : vector<512x8192xf32> to vector<512x128xf32>
    %sub3A_730 = arith.subf %add3A_728, %slice3A_729 : vector<512x128xf32>
    %lt3A_731 = arith.cmpf olt, %sub3A_730, %select_n3A_719 : vector<512x128xf32>
    %select_n3A_732 = arith.select %lt3A_731, %sub3A_730, %select_n3A_719 : vector<512x128xi1>, vector<512x128xf32>
    %jit3A_733 = arith.constant 55 : i32
    %broadcast_in_dim3A_734 = vector.broadcast %jit3A_733 : i32 to vector<512x128xi32>
    %select_n3A_735 = arith.select %lt3A_731, %broadcast_in_dim3A_734, %select_n3A_722 : vector<512x128xi1>, vector<512x128xi32>
    %get3A_736 = arith.constant 0 : index
    %get3A_737 = arith.constant 7168 : index
    %get3A_738 = vector.load %arg4[%get3A_736, %get3A_737] : memref<1x8192xf32, #tpu.memory_space<vmem>>, vector<1x128xf32>
    %add3A_739 = vector.broadcast %broadcast_in_dim3A : vector<512x1xf32> to vector<512x128xf32>
    %add3A_740 = vector.broadcast %get3A_738 : vector<1x128xf32> to vector<512x128xf32>
    %add3A_741 = arith.addf %add3A_739, %add3A_740 : vector<512x128xf32>
    %slice3A_742 = vector.extract_strided_slice %dot_general3A_8 {offsets = [0, 7168], sizes = [512, 128], strides = [1, 1]} : vector<512x8192xf32> to vector<512x128xf32>
    %sub3A_743 = arith.subf %add3A_741, %slice3A_742 : vector<512x128xf32>
    %lt3A_744 = arith.cmpf olt, %sub3A_743, %select_n3A_732 : vector<512x128xf32>
    %select_n3A_745 = arith.select %lt3A_744, %sub3A_743, %select_n3A_732 : vector<512x128xi1>, vector<512x128xf32>
    %jit3A_746 = arith.constant 56 : i32
    %broadcast_in_dim3A_747 = vector.broadcast %jit3A_746 : i32 to vector<512x128xi32>
    %select_n3A_748 = arith.select %lt3A_744, %broadcast_in_dim3A_747, %select_n3A_735 : vector<512x128xi1>, vector<512x128xi32>
    %get3A_749 = arith.constant 0 : index
    %get3A_750 = arith.constant 7296 : index
    %get3A_751 = vector.load %arg4[%get3A_749, %get3A_750] : memref<1x8192xf32, #tpu.memory_space<vmem>>, vector<1x128xf32>
    %add3A_752 = vector.broadcast %broadcast_in_dim3A : vector<512x1xf32> to vector<512x128xf32>
    %add3A_753 = vector.broadcast %get3A_751 : vector<1x128xf32> to vector<512x128xf32>
    %add3A_754 = arith.addf %add3A_752, %add3A_753 : vector<512x128xf32>
    %slice3A_755 = vector.extract_strided_slice %dot_general3A_8 {offsets = [0, 7296], sizes = [512, 128], strides = [1, 1]} : vector<512x8192xf32> to vector<512x128xf32>
    %sub3A_756 = arith.subf %add3A_754, %slice3A_755 : vector<512x128xf32>
    %lt3A_757 = arith.cmpf olt, %sub3A_756, %select_n3A_745 : vector<512x128xf32>
    %select_n3A_758 = arith.select %lt3A_757, %sub3A_756, %select_n3A_745 : vector<512x128xi1>, vector<512x128xf32>
    %jit3A_759 = arith.constant 57 : i32
    %broadcast_in_dim3A_760 = vector.broadcast %jit3A_759 : i32 to vector<512x128xi32>
    %select_n3A_761 = arith.select %lt3A_757, %broadcast_in_dim3A_760, %select_n3A_748 : vector<512x128xi1>, vector<512x128xi32>
    %get3A_762 = arith.constant 0 : index
    %get3A_763 = arith.constant 7424 : index
    %get3A_764 = vector.load %arg4[%get3A_762, %get3A_763] : memref<1x8192xf32, #tpu.memory_space<vmem>>, vector<1x128xf32>
    %add3A_765 = vector.broadcast %broadcast_in_dim3A : vector<512x1xf32> to vector<512x128xf32>
    %add3A_766 = vector.broadcast %get3A_764 : vector<1x128xf32> to vector<512x128xf32>
    %add3A_767 = arith.addf %add3A_765, %add3A_766 : vector<512x128xf32>
    %slice3A_768 = vector.extract_strided_slice %dot_general3A_8 {offsets = [0, 7424], sizes = [512, 128], strides = [1, 1]} : vector<512x8192xf32> to vector<512x128xf32>
    %sub3A_769 = arith.subf %add3A_767, %slice3A_768 : vector<512x128xf32>
    %lt3A_770 = arith.cmpf olt, %sub3A_769, %select_n3A_758 : vector<512x128xf32>
    %select_n3A_771 = arith.select %lt3A_770, %sub3A_769, %select_n3A_758 : vector<512x128xi1>, vector<512x128xf32>
    %jit3A_772 = arith.constant 58 : i32
    %broadcast_in_dim3A_773 = vector.broadcast %jit3A_772 : i32 to vector<512x128xi32>
    %select_n3A_774 = arith.select %lt3A_770, %broadcast_in_dim3A_773, %select_n3A_761 : vector<512x128xi1>, vector<512x128xi32>
    %get3A_775 = arith.constant 0 : index
    %get3A_776 = arith.constant 7552 : index
    %get3A_777 = vector.load %arg4[%get3A_775, %get3A_776] : memref<1x8192xf32, #tpu.memory_space<vmem>>, vector<1x128xf32>
    %add3A_778 = vector.broadcast %broadcast_in_dim3A : vector<512x1xf32> to vector<512x128xf32>
    %add3A_779 = vector.broadcast %get3A_777 : vector<1x128xf32> to vector<512x128xf32>
    %add3A_780 = arith.addf %add3A_778, %add3A_779 : vector<512x128xf32>
    %slice3A_781 = vector.extract_strided_slice %dot_general3A_8 {offsets = [0, 7552], sizes = [512, 128], strides = [1, 1]} : vector<512x8192xf32> to vector<512x128xf32>
    %sub3A_782 = arith.subf %add3A_780, %slice3A_781 : vector<512x128xf32>
    %lt3A_783 = arith.cmpf olt, %sub3A_782, %select_n3A_771 : vector<512x128xf32>
    %select_n3A_784 = arith.select %lt3A_783, %sub3A_782, %select_n3A_771 : vector<512x128xi1>, vector<512x128xf32>
    %jit3A_785 = arith.constant 59 : i32
    %broadcast_in_dim3A_786 = vector.broadcast %jit3A_785 : i32 to vector<512x128xi32>
    %select_n3A_787 = arith.select %lt3A_783, %broadcast_in_dim3A_786, %select_n3A_774 : vector<512x128xi1>, vector<512x128xi32>
    %get3A_788 = arith.constant 0 : index
    %get3A_789 = arith.constant 7680 : index
    %get3A_790 = vector.load %arg4[%get3A_788, %get3A_789] : memref<1x8192xf32, #tpu.memory_space<vmem>>, vector<1x128xf32>
    %add3A_791 = vector.broadcast %broadcast_in_dim3A : vector<512x1xf32> to vector<512x128xf32>
    %add3A_792 = vector.broadcast %get3A_790 : vector<1x128xf32> to vector<512x128xf32>
    %add3A_793 = arith.addf %add3A_791, %add3A_792 : vector<512x128xf32>
    %slice3A_794 = vector.extract_strided_slice %dot_general3A_8 {offsets = [0, 7680], sizes = [512, 128], strides = [1, 1]} : vector<512x8192xf32> to vector<512x128xf32>
    %sub3A_795 = arith.subf %add3A_793, %slice3A_794 : vector<512x128xf32>
    %lt3A_796 = arith.cmpf olt, %sub3A_795, %select_n3A_784 : vector<512x128xf32>
    %select_n3A_797 = arith.select %lt3A_796, %sub3A_795, %select_n3A_784 : vector<512x128xi1>, vector<512x128xf32>
    %jit3A_798 = arith.constant 60 : i32
    %broadcast_in_dim3A_799 = vector.broadcast %jit3A_798 : i32 to vector<512x128xi32>
    %select_n3A_800 = arith.select %lt3A_796, %broadcast_in_dim3A_799, %select_n3A_787 : vector<512x128xi1>, vector<512x128xi32>
    %get3A_801 = arith.constant 0 : index
    %get3A_802 = arith.constant 7808 : index
    %get3A_803 = vector.load %arg4[%get3A_801, %get3A_802] : memref<1x8192xf32, #tpu.memory_space<vmem>>, vector<1x128xf32>
    %add3A_804 = vector.broadcast %broadcast_in_dim3A : vector<512x1xf32> to vector<512x128xf32>
    %add3A_805 = vector.broadcast %get3A_803 : vector<1x128xf32> to vector<512x128xf32>
    %add3A_806 = arith.addf %add3A_804, %add3A_805 : vector<512x128xf32>
    %slice3A_807 = vector.extract_strided_slice %dot_general3A_8 {offsets = [0, 7808], sizes = [512, 128], strides = [1, 1]} : vector<512x8192xf32> to vector<512x128xf32>
    %sub3A_808 = arith.subf %add3A_806, %slice3A_807 : vector<512x128xf32>
    %lt3A_809 = arith.cmpf olt, %sub3A_808, %select_n3A_797 : vector<512x128xf32>
    %select_n3A_810 = arith.select %lt3A_809, %sub3A_808, %select_n3A_797 : vector<512x128xi1>, vector<512x128xf32>
    %jit3A_811 = arith.constant 61 : i32
    %broadcast_in_dim3A_812 = vector.broadcast %jit3A_811 : i32 to vector<512x128xi32>
    %select_n3A_813 = arith.select %lt3A_809, %broadcast_in_dim3A_812, %select_n3A_800 : vector<512x128xi1>, vector<512x128xi32>
    %get3A_814 = arith.constant 0 : index
    %get3A_815 = arith.constant 7936 : index
    %get3A_816 = vector.load %arg4[%get3A_814, %get3A_815] : memref<1x8192xf32, #tpu.memory_space<vmem>>, vector<1x128xf32>
    %add3A_817 = vector.broadcast %broadcast_in_dim3A : vector<512x1xf32> to vector<512x128xf32>
    %add3A_818 = vector.broadcast %get3A_816 : vector<1x128xf32> to vector<512x128xf32>
    %add3A_819 = arith.addf %add3A_817, %add3A_818 : vector<512x128xf32>
    %slice3A_820 = vector.extract_strided_slice %dot_general3A_8 {offsets = [0, 7936], sizes = [512, 128], strides = [1, 1]} : vector<512x8192xf32> to vector<512x128xf32>
    %sub3A_821 = arith.subf %add3A_819, %slice3A_820 : vector<512x128xf32>
    %lt3A_822 = arith.cmpf olt, %sub3A_821, %select_n3A_810 : vector<512x128xf32>
    %select_n3A_823 = arith.select %lt3A_822, %sub3A_821, %select_n3A_810 : vector<512x128xi1>, vector<512x128xf32>
    %jit3A_824 = arith.constant 62 : i32
    %broadcast_in_dim3A_825 = vector.broadcast %jit3A_824 : i32 to vector<512x128xi32>
    %select_n3A_826 = arith.select %lt3A_822, %broadcast_in_dim3A_825, %select_n3A_813 : vector<512x128xi1>, vector<512x128xi32>
    %get3A_827 = arith.constant 0 : index
    %get3A_828 = arith.constant 8064 : index
    %get3A_829 = vector.load %arg4[%get3A_827, %get3A_828] : memref<1x8192xf32, #tpu.memory_space<vmem>>, vector<1x128xf32>
    %add3A_830 = vector.broadcast %broadcast_in_dim3A : vector<512x1xf32> to vector<512x128xf32>
    %add3A_831 = vector.broadcast %get3A_829 : vector<1x128xf32> to vector<512x128xf32>
    %add3A_832 = arith.addf %add3A_830, %add3A_831 : vector<512x128xf32>
    %slice3A_833 = vector.extract_strided_slice %dot_general3A_8 {offsets = [0, 8064], sizes = [512, 128], strides = [1, 1]} : vector<512x8192xf32> to vector<512x128xf32>
    %sub3A_834 = arith.subf %add3A_832, %slice3A_833 : vector<512x128xf32>
    %lt3A_835 = arith.cmpf olt, %sub3A_834, %select_n3A_823 : vector<512x128xf32>
    %select_n3A_836 = arith.select %lt3A_835, %sub3A_834, %select_n3A_823 : vector<512x128xi1>, vector<512x128xf32>
    %jit3A_837 = arith.constant 63 : i32
    %broadcast_in_dim3A_838 = vector.broadcast %jit3A_837 : i32 to vector<512x128xi32>
    %select_n3A_839 = arith.select %lt3A_835, %broadcast_in_dim3A_838, %select_n3A_826 : vector<512x128xi1>, vector<512x128xi32>
    %iota3A = tpu.iota {dimensions = array<i32: 1>} : vector<512x128xi32>
    %mul3A = arith.constant 128 : i32
    %mul3A_840 = vector.broadcast %mul3A : i32 to vector<512x128xi32>
    %mul3A_841 = arith.muli %select_n3A_839, %mul3A_840 : vector<512x128xi32>
    %add3A_842 = arith.addi %mul3A_841, %iota3A : vector<512x128xi32>
    %reduce_min3A = arith.constant dense<0x7F800000> : vector<512xf32>
    %reduce_min3A_843 = vector.multi_reduction <minimumf>, %select_n3A_836, %reduce_min3A [1] : vector<512x128xf32> to vector<512xf32>
    %broadcast_in_dim3A_844 = vector.shape_cast %reduce_min3A_843 : vector<512xf32> to vector<512x1xf32>
    %eq3A_845 = vector.broadcast %broadcast_in_dim3A_844 : vector<512x1xf32> to vector<512x128xf32>
    %eq3A_846 = arith.cmpf oeq, %select_n3A_836, %eq3A_845 : vector<512x128xf32>
    %jit3A_847 = arith.constant 2147483647 : i32
    %broadcast_in_dim3A_848 = vector.broadcast %jit3A_847 : i32 to vector<512x128xi32>
    %select_n3A_849 = arith.select %eq3A_846, %add3A_842, %broadcast_in_dim3A_848 : vector<512x128xi1>, vector<512x128xi32>
    %reduce_min3A_850 = arith.constant dense<2147483647> : vector<512xi32>
    %reduce_min3A_851 = vector.multi_reduction <minsi>, %select_n3A_849, %reduce_min3A_850 [1] : vector<512x128xi32> to vector<512xi32>
    %broadcast_in_dim3A_852 = vector.shape_cast %reduce_min3A_851 : vector<512xi32> to vector<512x1xi32>
    %swap3A = arith.constant 0 : index
    %swap3A_853 = arith.constant 0 : index
    %swap3A_854 = vector.load %arg3[%swap3A, %swap3A_853] : memref<512x1xi32, #tpu.memory_space<vmem>>, vector<512x1xi32>
    tpu.vector_store %arg3[%swap3A, %swap3A_853], %broadcast_in_dim3A_852 {strides = array<i32>} : memref<512x1xi32, #tpu.memory_space<vmem>>, vector<512x1xi32>,
    return
  }
  func.func @transform_0(%arg0: i32) -> (i32, i32) {
    %c0_i32 = arith.constant 0 : i32
    %c0_i32_0 = arith.constant 0 : i32
    return %arg0, %c0_i32 : i32, i32
  }
  func.func @transform_1(%arg0: i32) -> (i32, i32) {
    %c0_i32 = arith.constant 0 : i32
    %c0_i32_0 = arith.constant 0 : i32
    %c0_i32_1 = arith.constant 0 : i32
    return %c0_i32, %c0_i32_0 : i32, i32
  }
  func.func @transform_2(%arg0: i32) -> (i32, i32) {
    %c0_i32 = arith.constant 0 : i32
    %c0_i32_0 = arith.constant 0 : i32
    return %arg0, %c0_i32 : i32, i32
  }
}

</mosaic_0001>

<sc_bundles>
// kernel: kernel.4.cloned.1.call-start
scs
__scs_entry_jumppad:
0x0: {  	(pc) =	sbr.rel $0x88, $3  }
0x1: {  	(tag) =	ssettag $0x0;
	lr =	simm.s32 $0x1  }
0x2: {  	[smem:$0x3F9F] =	sst lr;
	_ =	strace $0xD0000000  }
0x3: {  	_ = 	snop  }
0x4: {  	_ = 	snop  }
0x5: {  	_ = 	snop  }
0x6: {  	_ = 	snop  }
0x7: {  	_ = 	snop  }
__scs_overlays_trampoline_lowered:
0x8: {  	[smem:$0x3FAE] =	sst s0  }
0x9: {  	[smem:$0x3FAF] =	sst s1  }
0xa: {  	[smem:$0x3FB0] =	sst s2  }
0xb: {  	[smem:$0x3FB1] =	sst s3  }
0xc: {  	[smem:$0x3FB2] =	sst s4  }
0xd: {  	[smem:$0x3FB3] =	sst s5  }
0xe: {  	[smem:$0x3FB4] =	sst s6  }
0xf: {  	[smem:$0x3FB5] =	sst s7  }
0x10: {  	[smem:$0x3FB6] =	sst s8  }
0x11: {  	[smem:$0x3FB7] =	sst s9;
	s0 =	simm.s32 @!p0 $0x0  }
0x12: {  	s1 =	sld [smem:$0x3F9D];
	s0 =	simm.s32 @p0 $0x1  }
0x13: {  	[smem:$0x3FB8] =	sst s0;
	s0 =	simm.s32 @!p1 $0x0  }
0x14: {  	s2 =	sld [smem:$0x3F9C];
	s0 =	simm.s32 @p1 $0x1  }
0x15: {  	[smem:$0x3FB9] =	sst s0;
	s0 =	simm.s32 @!p2 $0x0  }
0x16: {  	s3 =	sld [smem:$0x3FDB];
	s0 =	simm.s32 @p2 $0x1  }
0x17: {  	s4 =	simm.s32 $0x1BF5;
	[smem:$0x3FBB] =	sst s0  }
0x18: {  	s0 =	sld [smem:$0x3F9E];
	_ =	swait.ge [sflag:s4], $0x0  }
0x19: {  	s7 =	sld [smem:$0x3F9F]  }
0x1a: {  	s8 =	sadd.s32 $0xFFFFE003, lr  }
0x1b: {  	s9 =	sadd.s32 $0xFFFFFEF7, lr;
	s5 =	simm.s32 $0xFFFFFFFF;
	p2 =	slt.u32 s8, $0xFFFFF086  }
0x1c: {  	p1 =	slt.u32 s9, $0xF7A;
	s5 =	simm.s32 @!p2 $0x0  }
0x1d: {  	s5 =	simm.s32 @p1 $0x1;
	p0 =	seq.s32 s7, s2  }
0x1e: {  	s7 =	smul.u32 @!p0 $0xF7A, s2;
	p2 =	seq.s32 @!p0 s5, $0x0  }
0x1f: {  	s9 =	smul.u32 $0xF7A, s1;
	s8 =	simm.s32 @!p0 $0x1BF5;
	p2 =	por !p2, p0  }
0x20: {  	[sflag:s8] =	ssyncset.s32 @!p0 $0xFFFFF086;
	s6 =	sadd.s32 @!p0 s3, s7;
	s7 =	simm.s32 @!p0 $0x108  }
0x21: {  	s3 =	sadd.s32 s3, s9;
	s6 =	sadd.s32 @!p0 $0x88, s6;
	s7 =	simm.s32 @p2 $0x1082  }
0x22: {  	[simem:s7], [sflag:s8] =	dma.local @!p0 [hbm:s6], $0xF7A  }
0x23: {  	s9 =	sor.u32 $0xD0000000, s2;
	s6 =	simm.s32 $0x108;
	_ =	swait.ge @!p0 [sflag:s8], $0x0  }
0x24: {  	s3 =	sadd.s32 $0x88, s3;
	s6 =	simm.s32 @!p1 $0x1082;
	[sflag:s4] =	ssyncset.s32 $0xFFFFF086  }
0x25: {  	[simem:s6], [sflag:s4] =	dma.local [hbm:s3], $0xF7A  }
0x26: {  	[smem:$0x3F9F] =	sst s1;
	(tag) =	ssettag s2;
	_ =	strace s9  }
0x27: {  	s1 =	sld [smem:$0x3FAF]  }
0x28: {  	s2 =	sld [smem:$0x3FB0]  }
0x29: {  	s4 =	sld [smem:$0x3FB2]  }
0x2a: {  	p0 =	seq.s32 s5, $0x0;
	s5 =	sld [smem:$0x3FB3]  }
0x2b: {  	s6 =	sld [smem:$0x3FB4]  }
0x2c: {  	s7 =	sld [smem:$0x3FB5]  }
0x2d: {  	s3 =	simm.s32 $0x108;
	s8 =	sld [smem:$0x3FB6]  }
0x2e: {  	s3 =	simm.s32 @!p0 $0x1082;
	s9 =	sld [smem:$0x3FB7]  }
0x2f: {  	lr =	sadd.s32 s0, s3;
	s0 =	sld [smem:$0x3FAE]  }
0x30: {  	s3 =	sld [smem:$0x3FB1]  }
0x31: {  	[smem:$0x3FBA] =	sst s10  }
0x32: {  	s10 =	sld [smem:$0x3FB8];
	_ =	sdelay $0x3  }
0x33: {  	p0 =	seq.s32 s10, $0x1;
	s10 =	sld [smem:$0x3FBA];
	_ =	sdelay $0x3  }
0x34: {  	[smem:$0x3FBA] =	sst s10  }
0x35: {  	s10 =	sld [smem:$0x3FB9];
	_ =	sdelay $0x3  }
0x36: {  	p1 =	seq.s32 s10, $0x1;
	s10 =	sld [smem:$0x3FBA];
	_ =	sdelay $0x3  }
0x37: {  	[smem:$0x3FBA] =	sst s10  }
0x38: {  	s10 =	sld [smem:$0x3FBB]  }
0x39: {  	_ = 	snop;
	(pc) =	sbr.ind lr, $3  }
0x3a: {  	_ = 	snop  }
0x3b: {  	_ = 	snop  }
0x3c: {  	p2 =	seq.s32 s10, $0x1;
	s10 =	sld [smem:$0x3FBA]  }
0x3d: {  	_ =	shalt  }
0x3e: {  	_ =	shalt  }
0x3f: {  	_ =	shalt  }
0x40: {  	_ =	shalt  }
0x41: {  	_ =	shalt  }
0x42: {  	_ =	shalt  }
0x43: {  	_ =	shalt  }
0x44: {  	_ =	shalt  }
0x45: {  	_ =	shalt  }
0x46: {  	_ =	shalt  }
0x47: {  	_ =	shalt  }
0x48: {  	_ =	shalt  }
0x49: {  	_ =	shalt  }
0x4a: {  	_ =	shalt  }
0x4b: {  	_ =	shalt  }
0x4c: {  	_ =	shalt  }
0x4d: {  	_ =	shalt  }
0x4e: {  	_ =	shalt  }
0x4f: {  	_ =	shalt  }
0x50: {  	_ =	shalt  }
0x51: {  	_ =	shalt  }
0x52: {  	_ =	shalt  }
0x53: {  	_ =	shalt  }
0x54: {  	_ =	shalt  }
0x55: {  	_ =	shalt  }
0x56: {  	_ =	shalt  }
0x57: {  	_ =	shalt  }
0x58: {  	_ =	shalt  }
0x59: {  	_ =	shalt  }
0x5a: {  	_ =	shalt  }
0x5b: {  	_ =	shalt  }
0x5c: {  	_ =	shalt  }
0x5d: {  	_ =	shalt  }
0x5e: {  	_ =	shalt  }
0x5f: {  	_ =	shalt  }
0x60: {  	_ =	shalt  }
0x61: {  	_ =	shalt  }
0x62: {  	_ =	shalt  }
0x63: {  	_ =	shalt  }
0x64: {  	_ =	shalt  }
0x65: {  	_ =	shalt  }
0x66: {  	_ =	shalt  }
0x67: {  	_ =	shalt  }
0x68: {  	_ =	shalt  }
0x69: {  	_ =	shalt  }
0x6a: {  	_ =	shalt  }
0x6b: {  	_ =	shalt  }
0x6c: {  	_ =	shalt  }
0x6d: {  	_ =	shalt  }
0x6e: {  	_ =	shalt  }
0x6f: {  	_ =	shalt  }
0x70: {  	_ =	shalt  }
0x71: {  	_ =	shalt  }
0x72: {  	_ =	shalt  }
0x73: {  	_ =	shalt  }
0x74: {  	_ =	shalt  }
0x75: {  	_ =	shalt  }
0x76: {  	_ =	shalt  }
0x77: {  	_ =	shalt  }
0x78: {  	_ =	shalt  }
0x79: {  	_ =	shalt  }
0x7a: {  	_ =	shalt  }
0x7b: {  	_ =	shalt  }
0x7c: {  	_ =	shalt  }
0x7d: {  	_ =	shalt  }
0x7e: {  	_ =	shalt  }
0x7f: {  	_ =	shalt  }
0x80: {  	_ =	shalt  }
0x81: {  	_ =	shalt  }
0x82: {  	_ =	shalt  }
0x83: {  	_ =	shalt  }
0x84: {  	_ =	shalt  }
0x85: {  	_ =	shalt  }
0x86: {  	_ =	shalt  }
0x87: {  	_ =	shalt  }
.Lfunc_end0:
.L_simem_size_0:
called_computation_lowered:
.L_overlay_start_0:
0x88: {  	s2 =	sld [smem:$0x3FD9]  }
0x89: {  	s3 =	sld [smem:$0x3FFE];
	_ =	sdelay $0x1  }
0x8a: {  	s1 =	srdreg.scid  }
0x8b: {  	s0 =	sand.u32 $0x1, s1  }
0x8c: {  	s17 =	sshll.u32 s0, $0xA;
	s2 =	sadd.s32 s3, s2  }
0x8d: {  	s2 =	sadd.s32 s2, s17  }
0x8e: {  	[smem:$0x3FC6] =	sst s2  }
0x8f: {  	_ = 	snop  }
0x90: {  	s2 =	sld [smem:$0x3FD0];
	(tm) =	ssettm $0x1  }
0x91: {  	s18 =	sld [smem:$0x3FFB];
	_ =	sdelay $0x3  }
0x92: {  	_ =	strace s18  }
0x93: {  	s3 =	sld [smem:$0x3FFC];
	_ =	sdelay $0x3  }
0x94: {  	_ =	strace s3  }
0x95: {  	s3 =	sld [smem:$0x3FFD];
	_ =	sdelay $0x3  }
0x96: {  	_ =	strace s3  }
0x97: {  	_ =	strace $0x8FFFFFFF  }
0x98: {  	s19 =	sld [smem:$0x3FDB];
	_ =	sdelay $0x1  }
0x99: {  	s4 =	simm.s32 $_scs_section_size  }
0x9a: {  	s5 =	simm.s32 $_size__tile_overlayer_lowered;
	s6 =	simm.s32 $_tile_overlayer_lowered  }
0x9b: {  	s22 =	simm.s32 $0x1BFF;
	s21 =	sshll.u32 s6, $0x1;
	s3 =	sadd.s32 s4, s19  }
0x9c: {  	s7 =	simm.s32 $0x0;
	s20 =	sshll.u32 s5, $0x1;
	s5 =	sadd.s32 s21, s3  }
0x9d: {  	[timem:s7], [sflag:s22] =	dma.local [hbm:s5], s20  }
0x9e: {  	_ =	swait.ge [sflag:s22], s20  }
0x9f: {  	s4 =	ssub.s32 $0x0, s20;
	[sflag:s22] =	ssyncset.done $0x0  }
0xa0: {  	[sflag:s22] =	ssyncadd.s32 s4;
	_ =	sdelay $0x1  }
0xa1: {  	s23 =	simm.s32 $0x1B8B  }
0xa2: {  	_ =	swait.ge [sflag:s23], $0x1  }
0xa3: {  	[sflag:s23] =	ssyncset.done $0x0  }
0xa4: {  	s25 =	simm.s32 $0x1B8E;
	s24 =	sld [smem:$0x3FFE];
	[sflag:s23] =	ssyncadd.s32 $0xFFFFFFFF  }
0xa5: {  	s26 =	simm.s32 $execute0_lowered;
	[smem:$0x3FD2] =	sst s25  }
0xa6: {  	s5 =	sshll.u32 s26, $0x1;
	_ =	strace $0x80000046;
	[dreg:$0x1] =	wrdreg $0xFFFFFFFF  }
0xa7: {  	s28 =	simm.s32 $_size_execute0_lowered;
	s3 =	sadd.s32 s3, s5;
	[dreg:$0x0] =	wrdreg $0x0  }
0xa8: {  	s5 =	sshll.u32 s28, $0x1;
	[dreg:$0x2] =	wrdreg s3  }
0xa9: {  	[dreg:$0x3] =	wrdreg s5  }
0xaa: {  	[dreg:$0x4] =	wrdreg $0xC0  }
0xab: {  	_ =	task [dreg:s7], $0x5FFFF  }
0xac: {  	[dreg:$0x1] =	wrdreg $0xFFFFFFFF  }
0xad: {  	[dreg:$0x0] =	wrdreg $0x60  }
0xae: {  	[dreg:$0x2] =	wrdreg s24  }
0xaf: {  	[dreg:$0x3] =	wrdreg s2  }
0xb0: {  	[dreg:$0x4] =	wrdreg $0x9  }
0xb1: {  	_ =	task.clear_ibuf [dreg:s7], $0x5FFFF;
	_ =	strace $0x90000046  }
0xb2: {  	s29 =	simm.s32 $0x9;
	_ =	strace $0x80000048  }
0xb3: {  	_ =	swait.ge [sflag:s29], $0x1  }
0xb4: {  	[sflag:s29] =	ssyncadd.s32 $0xFFFFFFFF  }
0xb5: {  	_ =	strace $0x90000048  }
0xb6: {  	_ =	sfence  }
0xb7: {  	s30 =	sld [smem:$0x0];
	_ =	sdelay $0x2  }
0xb8: {  	s31 =	sshll.u32 s1, $0xD;
	s1 =	sshrl.u32 s1, $0x2  }
0xb9: {  	s3 =	sand.u32 $0x4000, s31;
	s1 =	sadd.s32 s1, s30  }
0xba: {  	s0 =	sor.u32 s3, s0;
	s1 =	sshll.u32 s1, $0x11  }
0xbb: {  	s0 =	sor.u32 s1, s0  }
0xbc: {  	s0 =	sadd.s32 $0x8F2B, s0  }
0xbd: {  	[sflag:s0] =	ssyncadd.remote.s32 $0x1  }
0xbe: {  	_ =	sfence.sel $0xFFFF  }
0xbf: {  	[dreg:$0x0] =	wrdreg $0xFFFFFFFF;
	(pc) =	sbr.abs _section_cstart, $3  }
0xc0: {  	[dreg:$0x1] =	wrdreg $0xFFFFFFFF  }
0xc1: {  	_ =	task.clear_ibuf [dreg:s7], $0x2FFFF;
	_ =	strace $0x9FFFFFFF  }
0xc2: {  	(tm) =	ssettm $0x7FFFFFFF  }
0xc3: {  	_ =	shalt  }
tec
execute0_lowered:
.L_overlay_start_1:
0x0: {  	(tag) =	ssettag $0x1  }
0x1: {  	s4 =	rddreg [dreg:$0x0]  }
0x2: {  	s5 =	rddreg [dreg:$0x1];
	s2 =	simm.s32 $0x0;
	s3 =	srdreg.scid  }
0x3: {  	s1 =	stileid.u32;
	s13 =	simm.s32 $0x2;
	s14 =	simm.s32 $0x400  }
0x4: {  	s15 =	simm.s32 $0xC00;
	s16 =	simm.s32 $0x1400;
	s17 =	simm.s32 $0x1C00  }
0x5: {  	s18 =	simm.s32 $0x2400;
	s19 =	simm.s32 $0x2C00;
	s20 =	simm.s32 $0x3400  }
0x6: {  	s21 =	simm.s32 $0x3C00;
	s22 =	simm.s32 $0x4400;
	s23 =	simm.s32 $0x4C00  }
0x7: {  	s28 =	simm.s32 $0x6C00;
	s29 =	simm.s32 $0x7400;
	s30 =	simm.s32 $0x7C00  }
0x8: {  	s31 =	simm.s32 $0x1;
	[smem:$0x7FF] =	sst s2;
	s6 =	sand.u32 $0x1, s3  }
0x9: {  	s24 =	sshll.u32 s1, $0x1;
	s3 =	sadd.s32 $0x800, s4;
	_ =	strace $0x80000047  }
0xa: {  	s7 =	sor.u32 s6, s24;
	s6 =	ssub.s32 $0x2, s6;
	s24 =	simm.s32 $0x5400  }
0xb: {  	s8 =	sshll.u32 s7, $0x7;
	s25 =	sshrl.u32 s6, $0x1;
	s7 =	sshll.u32 s7, $0xF  }
0xc: {  	s4 =	sadd.s32 s8, s4;
	s12 =	ssub.s32 s6, s25;
	s25 =	simm.s32 $0x5C00  }
0xd: {  	s26 =	sadd.s32 $0x40800, s4;
	s4 =	sadd.s32 s5, s7;
	s12 =	smax.u32 s12, $0x1  }
0xe: {  	v2 =	vlaneseq.u32;
	[dreg:$0x3] =	wrdreg s26;
	s5 =	sadd.s32 $0x1000, s4;
	s6 =	sadd.s32 $0x2000, s4  }
0xf: {  	vm0 =	vmmov $0xffff;
	v1 =	vshrl.u32 v2, $0x3;
	s7 =	sadd.s32 $0x3000, s4;
	s8 =	sadd.s32 $0x4000, s4;
	s9 =	sadd.s32 $0x5000, s4  }
0x10: {  	v0 =	vand.u32 $0x7, v2;
	v2 =	vor.u32 $0x8, v2;
	v1 =	vmul.u32 $0x8, v1;
	s10 =	sadd.s32 $0x6000, s4;
	s11 =	sadd.s32 $0x7000, s4;
	s26 =	simm.s32 $0x6400  }
.LBB2_1:
0x11: {  	s0 =	rddreg [dreg:$0x3]  }
0x12: {  	[tilespmem:s2], [sflag:$0x2] =	stream.linear.gather [hbm4b:s0+s2], $0x400, $0x38;
	[tilespmem:$0x8400] =	vst v63  }
0x13: {  	_ =	swait.ge [sflag:s13], $0x400  }
0x14: {  	[sflag:s13] =	ssyncset.done $0x0  }
0x15: {  	[sflag:s13] =	ssyncadd.s32 $0xFFFFFC00  }
0x16: {  	v3 =	vld [tilespmem:$0x0];
	_ =	sdelay $0x4  }
0x17: {  	v4 =	vshll.u32 v3, $0x1  }
0x18: {  	v3 =	vand.u32 $0x7, v3;
	v4 =	vand.u32 $0xFFFFFFF0, v4  }
0x19: {  	v3 =	vor.u32 v3, v4  }
0x1a: {  	v4 =	vperm.xlane v3, v0;
	_ =	sdelay $0x1  }
0x1b: {  	v3 =	vperm.xlane v3, v2;
	v4 =	vadd.s32 v1, v4;
	_ =	sdelay $0x1  }
0x1c: {  	v3 =	vadd.s32 v1, v3;
	_ =	sdelay $0x2  }
0x1d: {  	[tilespmem:s14], [sflag:$0x1] =	stream.indirect_vreg.gather [hbm4b:s3+s2], $0x80, v4, vm0, $0xb8;
	[tilespmem:$0x8400] =	vst v63  }
0x1e: {  	_ = 	snop  }
0x1f: {  	[tilespmem:s15], [sflag:$0x1] =	stream.indirect_vreg.gather [hbm4b:s3+s2], $0x80, v3, vm0, $0xb8;
	[tilespmem:$0x8400] =	vst v63  }
0x20: {  	v3 =	vld [tilespmem:$0x10];
	_ =	sdelay $0x4  }
0x21: {  	v57 =	vshll.u32 v3, $0x1  }
0x22: {  	v3 =	vand.u32 $0x7, v3;
	v4 =	vand.u32 $0xFFFFFFF0, v57  }
0x23: {  	v3 =	vor.u32 v3, v4  }
0x24: {  	v4 =	vperm.xlane v3, v0;
	_ =	sdelay $0x1  }
0x25: {  	v3 =	vperm.xlane v3, v2;
	v4 =	vadd.s32 v1, v4;
	_ =	sdelay $0x1  }
0x26: {  	v3 =	vadd.s32 v1, v3;
	_ =	sdelay $0x2  }
0x27: {  	[tilespmem:s16], [sflag:$0x1] =	stream.indirect_vreg.gather [hbm4b:s3+s2], $0x80, v4, vm0, $0xb8;
	[tilespmem:$0x8400] =	vst v63  }
0x28: {  	_ = 	snop  }
0x29: {  	[tilespmem:s17], [sflag:$0x1] =	stream.indirect_vreg.gather [hbm4b:s3+s2], $0x80, v3, vm0, $0xb8;
	[tilespmem:$0x8400] =	vst v63  }
0x2a: {  	v3 =	vld [tilespmem:$0x20];
	_ =	sdelay $0x4  }
0x2b: {  	v58 =	vshll.u32 v3, $0x1  }
0x2c: {  	v3 =	vand.u32 $0x7, v3;
	v4 =	vand.u32 $0xFFFFFFF0, v58  }
0x2d: {  	v3 =	vor.u32 v3, v4  }
0x2e: {  	v4 =	vperm.xlane v3, v0;
	_ =	sdelay $0x1  }
0x2f: {  	v3 =	vperm.xlane v3, v2;
	v4 =	vadd.s32 v1, v4;
	_ =	sdelay $0x1  }
0x30: {  	v3 =	vadd.s32 v1, v3;
	_ =	sdelay $0x2  }
0x31: {  	[tilespmem:s18], [sflag:$0x1] =	stream.indirect_vreg.gather [hbm4b:s3+s2], $0x80, v4, vm0, $0xb8;
	[tilespmem:$0x8400] =	vst v63  }
0x32: {  	_ = 	snop  }
0x33: {  	[tilespmem:s19], [sflag:$0x1] =	stream.indirect_vreg.gather [hbm4b:s3+s2], $0x80, v3, vm0, $0xb8;
	[tilespmem:$0x8400] =	vst v63  }
0x34: {  	v3 =	vld [tilespmem:$0x30];
	_ =	sdelay $0x4  }
0x35: {  	v59 =	vshll.u32 v3, $0x1  }
0x36: {  	v3 =	vand.u32 $0x7, v3;
	v4 =	vand.u32 $0xFFFFFFF0, v59  }
0x37: {  	v3 =	vor.u32 v3, v4  }
0x38: {  	v4 =	vperm.xlane v3, v0;
	_ =	sdelay $0x1  }
0x39: {  	v3 =	vperm.xlane v3, v2;
	v4 =	vadd.s32 v1, v4;
	_ =	sdelay $0x1  }
0x3a: {  	v3 =	vadd.s32 v1, v3;
	_ =	sdelay $0x2  }
0x3b: {  	[tilespmem:s20], [sflag:$0x1] =	stream.indirect_vreg.gather [hbm4b:s3+s2], $0x80, v4, vm0, $0xb8;
	[tilespmem:$0x8400] =	vst v63  }
0x3c: {  	_ = 	snop  }
0x3d: {  	[tilespmem:s21], [sflag:$0x1] =	stream.indirect_vreg.gather [hbm4b:s3+s2], $0x80, v3, vm0, $0xb8;
	[tilespmem:$0x8400] =	vst v63  }
0x3e: {  	v3 =	vld [tilespmem:$0x40];
	_ =	sdelay $0x4  }
0x3f: {  	v60 =	vshll.u32 v3, $0x1  }
0x40: {  	v3 =	vand.u32 $0x7, v3;
	v4 =	vand.u32 $0xFFFFFFF0, v60  }
0x41: {  	v3 =	vor.u32 v3, v4  }
0x42: {  	v4 =	vperm.xlane v3, v0;
	_ =	sdelay $0x1  }
0x43: {  	v3 =	vperm.xlane v3, v2;
	v4 =	vadd.s32 v1, v4;
	_ =	sdelay $0x1  }
0x44: {  	v3 =	vadd.s32 v1, v3;
	_ =	sdelay $0x2  }
0x45: {  	[tilespmem:s22], [sflag:$0x1] =	stream.indirect_vreg.gather [hbm4b:s3+s2], $0x80, v4, vm0, $0xb8;
	[tilespmem:$0x8400] =	vst v63  }
0x46: {  	_ = 	snop  }
0x47: {  	[tilespmem:s23], [sflag:$0x1] =	stream.indirect_vreg.gather [hbm4b:s3+s2], $0x80, v3, vm0, $0xb8;
	[tilespmem:$0x8400] =	vst v63  }
0x48: {  	v3 =	vld [tilespmem:$0x50];
	_ =	sdelay $0x4  }
0x49: {  	v61 =	vshll.u32 v3, $0x1  }
0x4a: {  	v3 =	vand.u32 $0x7, v3;
	v4 =	vand.u32 $0xFFFFFFF0, v61  }
0x4b: {  	v3 =	vor.u32 v3, v4  }
0x4c: {  	v4 =	vperm.xlane v3, v0;
	_ =	sdelay $0x1  }
0x4d: {  	v3 =	vperm.xlane v3, v2;
	v4 =	vadd.s32 v1, v4;
	_ =	sdelay $0x1  }
0x4e: {  	v3 =	vadd.s32 v1, v3;
	_ =	sdelay $0x2  }
0x4f: {  	[tilespmem:s24], [sflag:$0x1] =	stream.indirect_vreg.gather [hbm4b:s3+s2], $0x80, v4, vm0, $0xb8;
	[tilespmem:$0x8400] =	vst v63  }
0x50: {  	_ = 	snop  }
0x51: {  	[tilespmem:s25], [sflag:$0x1] =	stream.indirect_vreg.gather [hbm4b:s3+s2], $0x80, v3, vm0, $0xb8;
	[tilespmem:$0x8400] =	vst v63  }
0x52: {  	v3 =	vld [tilespmem:$0x60];
	_ =	sdelay $0x4  }
0x53: {  	v62 =	vshll.u32 v3, $0x1  }
0x54: {  	v3 =	vand.u32 $0x7, v3;
	v4 =	vand.u32 $0xFFFFFFF0, v62  }
0x55: {  	v3 =	vor.u32 v3, v4  }
0x56: {  	v4 =	vperm.xlane v3, v0;
	_ =	sdelay $0x1  }
0x57: {  	v3 =	vperm.xlane v3, v2;
	v4 =	vadd.s32 v1, v4;
	_ =	sdelay $0x1  }
0x58: {  	v3 =	vadd.s32 v1, v3;
	_ =	sdelay $0x2  }
0x59: {  	[tilespmem:s26], [sflag:$0x1] =	stream.indirect_vreg.gather [hbm4b:s3+s2], $0x80, v4, vm0, $0xb8;
	[tilespmem:$0x8400] =	vst v63  }
0x5a: {  	_ = 	snop  }
0x5b: {  	[tilespmem:s28], [sflag:$0x1] =	stream.indirect_vreg.gather [hbm4b:s3+s2], $0x80, v3, vm0, $0xb8;
	[tilespmem:$0x8400] =	vst v63  }
0x5c: {  	v3 =	vld [tilespmem:$0x70];
	_ =	sdelay $0x4  }
0x5d: {  	v63 =	vshll.u32 v3, $0x1  }
0x5e: {  	v3 =	vand.u32 $0x7, v3;
	v4 =	vand.u32 $0xFFFFFFF0, v63  }
0x5f: {  	v3 =	vor.u32 v3, v4  }
0x60: {  	v4 =	vperm.xlane v3, v0;
	_ =	sdelay $0x1  }
0x61: {  	v3 =	vperm.xlane v3, v2;
	v4 =	vadd.s32 v1, v4;
	_ =	sdelay $0x1  }
0x62: {  	v3 =	vadd.s32 v1, v3;
	_ =	sdelay $0x2  }
0x63: {  	[tilespmem:s29], [sflag:$0x1] =	stream.indirect_vreg.gather [hbm4b:s3+s2], $0x80, v4, vm0, $0xb8;
	[tilespmem:$0x8400] =	vst v63  }
0x64: {  	_ = 	snop  }
0x65: {  	[tilespmem:s30], [sflag:$0x1] =	stream.indirect_vreg.gather [hbm4b:s3+s2], $0x80, v3, vm0, $0xb8;
	[tilespmem:$0x8400] =	vst v63  }
0x66: {  	_ =	swait.ge [sflag:s31], $0x8000  }
0x67: {  	[sflag:s31] =	ssyncset.done $0x0  }
0x68: {  	[sflag:s31] =	ssyncadd.s32 $0xFFFF8000  }
0x69: {  	[hbm4b:s4+s2] =	stream.linear.scatter [tilespmem:s14], [sflag:$0x2], $0x8000, $0x38;
	[tilespmem:$0x8400] =	vst v63  }
0x6a: {  	_ =	swait.ge [sflag:s13], $0x8000  }
0x6b: {  	[sflag:s13] =	ssyncset.done $0x0  }
0x6c: {  	[sflag:s13] =	ssyncadd.s32 $0xFFFF8000  }
0x6d: {  	v3 =	vld [tilespmem:$0x80];
	_ =	sdelay $0x4  }
0x6e: {  	v8 =	vshll.u32 v3, $0x1  }
0x6f: {  	v3 =	vand.u32 $0x7, v3;
	v4 =	vand.u32 $0xFFFFFFF0, v8  }
0x70: {  	v3 =	vor.u32 v3, v4  }
0x71: {  	v4 =	vperm.xlane v3, v0;
	_ =	sdelay $0x1  }
0x72: {  	v3 =	vperm.xlane v3, v2;
	v4 =	vadd.s32 v1, v4;
	_ =	sdelay $0x1  }
0x73: {  	v3 =	vadd.s32 v1, v3;
	_ =	sdelay $0x2  }
0x74: {  	[tilespmem:s14], [sflag:$0x1] =	stream.indirect_vreg.gather [hbm4b:s3+s2], $0x80, v4, vm0, $0xb8;
	[tilespmem:$0x8400] =	vst v63  }
0x75: {  	_ = 	snop  }
0x76: {  	[tilespmem:s15], [sflag:$0x1] =	stream.indirect_vreg.gather [hbm4b:s3+s2], $0x80, v3, vm0, $0xb8;
	[tilespmem:$0x8400] =	vst v63  }
0x77: {  	v3 =	vld [tilespmem:$0x90];
	_ =	sdelay $0x4  }
0x78: {  	v9 =	vshll.u32 v3, $0x1  }
0x79: {  	v3 =	vand.u32 $0x7, v3;
	v4 =	vand.u32 $0xFFFFFFF0, v9  }
0x7a: {  	v3 =	vor.u32 v3, v4  }
0x7b: {  	v4 =	vperm.xlane v3, v0;
	_ =	sdelay $0x1  }
0x7c: {  	v3 =	vperm.xlane v3, v2;
	v4 =	vadd.s32 v1, v4;
	_ =	sdelay $0x1  }
0x7d: {  	v3 =	vadd.s32 v1, v3;
	_ =	sdelay $0x2  }
0x7e: {  	[tilespmem:s16], [sflag:$0x1] =	stream.indirect_vreg.gather [hbm4b:s3+s2], $0x80, v4, vm0, $0xb8;
	[tilespmem:$0x8400] =	vst v63  }
0x7f: {  	_ = 	snop  }
0x80: {  	[tilespmem:s17], [sflag:$0x1] =	stream.indirect_vreg.gather [hbm4b:s3+s2], $0x80, v3, vm0, $0xb8;
	[tilespmem:$0x8400] =	vst v63  }
0x81: {  	v3 =	vld [tilespmem:$0xA0];
	_ =	sdelay $0x4  }
0x82: {  	v10 =	vshll.u32 v3, $0x1  }
0x83: {  	v3 =	vand.u32 $0x7, v3;
	v4 =	vand.u32 $0xFFFFFFF0, v10  }
0x84: {  	v3 =	vor.u32 v3, v4  }
0x85: {  	v4 =	vperm.xlane v3, v0;
	_ =	sdelay $0x1  }
0x86: {  	v3 =	vperm.xlane v3, v2;
	v4 =	vadd.s32 v1, v4;
	_ =	sdelay $0x1  }
0x87: {  	v3 =	vadd.s32 v1, v3;
	_ =	sdelay $0x2  }
0x88: {  	[tilespmem:s18], [sflag:$0x1] =	stream.indirect_vreg.gather [hbm4b:s3+s2], $0x80, v4, vm0, $0xb8;
	[tilespmem:$0x8400] =	vst v63  }
0x89: {  	_ = 	snop  }
0x8a: {  	[tilespmem:s19], [sflag:$0x1] =	stream.indirect_vreg.gather [hbm4b:s3+s2], $0x80, v3, vm0, $0xb8;
	[tilespmem:$0x8400] =	vst v63  }
0x8b: {  	v3 =	vld [tilespmem:$0xB0];
	_ =	sdelay $0x4  }
0x8c: {  	v11 =	vshll.u32 v3, $0x1  }
0x8d: {  	v3 =	vand.u32 $0x7, v3;
	v4 =	vand.u32 $0xFFFFFFF0, v11  }
0x8e: {  	v3 =	vor.u32 v3, v4  }
0x8f: {  	v4 =	vperm.xlane v3, v0;
	_ =	sdelay $0x1  }
0x90: {  	v3 =	vperm.xlane v3, v2;
	v4 =	vadd.s32 v1, v4;
	_ =	sdelay $0x1  }
0x91: {  	v3 =	vadd.s32 v1, v3;
	_ =	sdelay $0x2  }
0x92: {  	[tilespmem:s20], [sflag:$0x1] =	stream.indirect_vreg.gather [hbm4b:s3+s2], $0x80, v4, vm0, $0xb8;
	[tilespmem:$0x8400] =	vst v63  }
0x93: {  	_ = 	snop  }
0x94: {  	[tilespmem:s21], [sflag:$0x1] =	stream.indirect_vreg.gather [hbm4b:s3+s2], $0x80, v3, vm0, $0xb8;
	[tilespmem:$0x8400] =	vst v63  }
0x95: {  	v3 =	vld [tilespmem:$0xC0];
	_ =	sdelay $0x4  }
0x96: {  	v12 =	vshll.u32 v3, $0x1  }
0x97: {  	v3 =	vand.u32 $0x7, v3;
	v4 =	vand.u32 $0xFFFFFFF0, v12  }
0x98: {  	v3 =	vor.u32 v3, v4  }
0x99: {  	v4 =	vperm.xlane v3, v0;
	_ =	sdelay $0x1  }
0x9a: {  	v3 =	vperm.xlane v3, v2;
	v4 =	vadd.s32 v1, v4;
	_ =	sdelay $0x1  }
0x9b: {  	v3 =	vadd.s32 v1, v3;
	_ =	sdelay $0x2  }
0x9c: {  	[tilespmem:s22], [sflag:$0x1] =	stream.indirect_vreg.gather [hbm4b:s3+s2], $0x80, v4, vm0, $0xb8;
	[tilespmem:$0x8400] =	vst v63  }
0x9d: {  	_ = 	snop  }
0x9e: {  	[tilespmem:s23], [sflag:$0x1] =	stream.indirect_vreg.gather [hbm4b:s3+s2], $0x80, v3, vm0, $0xb8;
	[tilespmem:$0x8400] =	vst v63  }
0x9f: {  	v3 =	vld [tilespmem:$0xD0];
	_ =	sdelay $0x4  }
0xa0: {  	v13 =	vshll.u32 v3, $0x1  }
0xa1: {  	v3 =	vand.u32 $0x7, v3;
	v4 =	vand.u32 $0xFFFFFFF0, v13  }
0xa2: {  	v3 =	vor.u32 v3, v4  }
0xa3: {  	v4 =	vperm.xlane v3, v0;
	_ =	sdelay $0x1  }
0xa4: {  	v3 =	vperm.xlane v3, v2;
	v4 =	vadd.s32 v1, v4;
	_ =	sdelay $0x1  }
0xa5: {  	v3 =	vadd.s32 v1, v3;
	_ =	sdelay $0x2  }
0xa6: {  	[tilespmem:s24], [sflag:$0x1] =	stream.indirect_vreg.gather [hbm4b:s3+s2], $0x80, v4, vm0, $0xb8;
	[tilespmem:$0x8400] =	vst v63  }
0xa7: {  	_ = 	snop  }
0xa8: {  	[tilespmem:s25], [sflag:$0x1] =	stream.indirect_vreg.gather [hbm4b:s3+s2], $0x80, v3, vm0, $0xb8;
	[tilespmem:$0x8400] =	vst v63  }
0xa9: {  	v3 =	vld [tilespmem:$0xE0];
	_ =	sdelay $0x4  }
0xaa: {  	v14 =	vshll.u32 v3, $0x1  }
0xab: {  	v3 =	vand.u32 $0x7, v3;
	v4 =	vand.u32 $0xFFFFFFF0, v14  }
0xac: {  	v3 =	vor.u32 v3, v4  }
0xad: {  	v4 =	vperm.xlane v3, v0;
	_ =	sdelay $0x1  }
0xae: {  	v3 =	vperm.xlane v3, v2;
	v4 =	vadd.s32 v1, v4;
	_ =	sdelay $0x1  }
0xaf: {  	v3 =	vadd.s32 v1, v3;
	_ =	sdelay $0x2  }
0xb0: {  	[tilespmem:s26], [sflag:$0x1] =	stream.indirect_vreg.gather [hbm4b:s3+s2], $0x80, v4, vm0, $0xb8;
	[tilespmem:$0x8400] =	vst v63  }
0xb1: {  	_ = 	snop  }
0xb2: {  	[tilespmem:s28], [sflag:$0x1] =	stream.indirect_vreg.gather [hbm4b:s3+s2], $0x80, v3, vm0, $0xb8;
	[tilespmem:$0x8400] =	vst v63  }
0xb3: {  	v3 =	vld [tilespmem:$0xF0];
	_ =	sdelay $0x4  }
0xb4: {  	v15 =	vshll.u32 v3, $0x1  }
0xb5: {  	v3 =	vand.u32 $0x7, v3;
	v4 =	vand.u32 $0xFFFFFFF0, v15  }
0xb6: {  	v3 =	vor.u32 v3, v4  }
0xb7: {  	v4 =	vperm.xlane v3, v0;
	_ =	sdelay $0x1  }
0xb8: {  	v3 =	vperm.xlane v3, v2;
	v4 =	vadd.s32 v1, v4;
	_ =	sdelay $0x1  }
0xb9: {  	v3 =	vadd.s32 v1, v3;
	_ =	sdelay $0x2  }
0xba: {  	[tilespmem:s29], [sflag:$0x1] =	stream.indirect_vreg.gather [hbm4b:s3+s2], $0x80, v4, vm0, $0xb8;
	[tilespmem:$0x8400] =	vst v63  }
0xbb: {  	_ = 	snop  }
0xbc: {  	[tilespmem:s30], [sflag:$0x1] =	stream.indirect_vreg.gather [hbm4b:s3+s2], $0x80, v3, vm0, $0xb8;
	[tilespmem:$0x8400] =	vst v63  }
0xbd: {  	_ =	swait.ge [sflag:s31], $0x8000  }
0xbe: {  	[sflag:s31] =	ssyncset.done $0x0  }
0xbf: {  	[sflag:s31] =	ssyncadd.s32 $0xFFFF8000  }
0xc0: {  	[hbm4b:s5+s2] =	stream.linear.scatter [tilespmem:s14], [sflag:$0x2], $0x8000, $0x38;
	[tilespmem:$0x8400] =	vst v63  }
0xc1: {  	_ =	swait.ge [sflag:s13], $0x8000  }
0xc2: {  	[sflag:s13] =	ssyncset.done $0x0  }
0xc3: {  	[sflag:s13] =	ssyncadd.s32 $0xFFFF8000  }
0xc4: {  	v3 =	vld [tilespmem:$0x100];
	_ =	sdelay $0x4  }
0xc5: {  	v16 =	vshll.u32 v3, $0x1  }
0xc6: {  	v3 =	vand.u32 $0x7, v3;
	v4 =	vand.u32 $0xFFFFFFF0, v16  }
0xc7: {  	v3 =	vor.u32 v3, v4  }
0xc8: {  	v4 =	vperm.xlane v3, v0;
	_ =	sdelay $0x1  }
0xc9: {  	v3 =	vperm.xlane v3, v2;
	v4 =	vadd.s32 v1, v4;
	_ =	sdelay $0x1  }
0xca: {  	v3 =	vadd.s32 v1, v3;
	_ =	sdelay $0x2  }
0xcb: {  	[tilespmem:s14], [sflag:$0x1] =	stream.indirect_vreg.gather [hbm4b:s3+s2], $0x80, v4, vm0, $0xb8;
	[tilespmem:$0x8400] =	vst v63  }
0xcc: {  	_ = 	snop  }
0xcd: {  	[tilespmem:s15], [sflag:$0x1] =	stream.indirect_vreg.gather [hbm4b:s3+s2], $0x80, v3, vm0, $0xb8;
	[tilespmem:$0x8400] =	vst v63  }
0xce: {  	v3 =	vld [tilespmem:$0x110];
	_ =	sdelay $0x4  }
0xcf: {  	v17 =	vshll.u32 v3, $0x1  }
0xd0: {  	v3 =	vand.u32 $0x7, v3;
	v4 =	vand.u32 $0xFFFFFFF0, v17  }
0xd1: {  	v3 =	vor.u32 v3, v4  }
0xd2: {  	v4 =	vperm.xlane v3, v0;
	_ =	sdelay $0x1  }
0xd3: {  	v3 =	vperm.xlane v3, v2;
	v4 =	vadd.s32 v1, v4;
	_ =	sdelay $0x1  }
0xd4: {  	v3 =	vadd.s32 v1, v3;
	_ =	sdelay $0x2  }
0xd5: {  	[tilespmem:s16], [sflag:$0x1] =	stream.indirect_vreg.gather [hbm4b:s3+s2], $0x80, v4, vm0, $0xb8;
	[tilespmem:$0x8400] =	vst v63  }
0xd6: {  	_ = 	snop  }
0xd7: {  	[tilespmem:s17], [sflag:$0x1] =	stream.indirect_vreg.gather [hbm4b:s3+s2], $0x80, v3, vm0, $0xb8;
	[tilespmem:$0x8400] =	vst v63  }
0xd8: {  	v3 =	vld [tilespmem:$0x120];
	_ =	sdelay $0x4  }
0xd9: {  	v18 =	vshll.u32 v3, $0x1  }
0xda: {  	v3 =	vand.u32 $0x7, v3;
	v4 =	vand.u32 $0xFFFFFFF0, v18  }
0xdb: {  	v3 =	vor.u32 v3, v4  }
0xdc: {  	v4 =	vperm.xlane v3, v0;
	_ =	sdelay $0x1  }
0xdd: {  	v3 =	vperm.xlane v3, v2;
	v4 =	vadd.s32 v1, v4;
	_ =	sdelay $0x1  }
0xde: {  	v3 =	vadd.s32 v1, v3;
	_ =	sdelay $0x2  }
0xdf: {  	[tilespmem:s18], [sflag:$0x1] =	stream.indirect_vreg.gather [hbm4b:s3+s2], $0x80, v4, vm0, $0xb8;
	[tilespmem:$0x8400] =	vst v63  }
0xe0: {  	_ = 	snop  }
0xe1: {  	[tilespmem:s19], [sflag:$0x1] =	stream.indirect_vreg.gather [hbm4b:s3+s2], $0x80, v3, vm0, $0xb8;
	[tilespmem:$0x8400] =	vst v63  }
0xe2: {  	v3 =	vld [tilespmem:$0x130];
	_ =	sdelay $0x4  }
0xe3: {  	v19 =	vshll.u32 v3, $0x1  }
0xe4: {  	v3 =	vand.u32 $0x7, v3;
	v4 =	vand.u32 $0xFFFFFFF0, v19  }
0xe5: {  	v3 =	vor.u32 v3, v4  }
0xe6: {  	v4 =	vperm.xlane v3, v0;
	_ =	sdelay $0x1  }
0xe7: {  	v3 =	vperm.xlane v3, v2;
	v4 =	vadd.s32 v1, v4;
	_ =	sdelay $0x1  }
0xe8: {  	v3 =	vadd.s32 v1, v3;
	_ =	sdelay $0x2  }
0xe9: {  	[tilespmem:s20], [sflag:$0x1] =	stream.indirect_vreg.gather [hbm4b:s3+s2], $0x80, v4, vm0, $0xb8;
	[tilespmem:$0x8400] =	vst v63  }
0xea: {  	_ = 	snop  }
0xeb: {  	[tilespmem:s21], [sflag:$0x1] =	stream.indirect_vreg.gather [hbm4b:s3+s2], $0x80, v3, vm0, $0xb8;
	[tilespmem:$0x8400] =	vst v63  }
0xec: {  	v3 =	vld [tilespmem:$0x140];
	_ =	sdelay $0x4  }
0xed: {  	v20 =	vshll.u32 v3, $0x1  }
0xee: {  	v3 =	vand.u32 $0x7, v3;
	v4 =	vand.u32 $0xFFFFFFF0, v20  }
0xef: {  	v3 =	vor.u32 v3, v4  }
0xf0: {  	v4 =	vperm.xlane v3, v0;
	_ =	sdelay $0x1  }
0xf1: {  	v3 =	vperm.xlane v3, v2;
	v4 =	vadd.s32 v1, v4;
	_ =	sdelay $0x1  }
0xf2: {  	v3 =	vadd.s32 v1, v3;
	_ =	sdelay $0x2  }
0xf3: {  	[tilespmem:s22], [sflag:$0x1] =	stream.indirect_vreg.gather [hbm4b:s3+s2], $0x80, v4, vm0, $0xb8;
	[tilespmem:$0x8400] =	vst v63  }
0xf4: {  	_ = 	snop  }
0xf5: {  	[tilespmem:s23], [sflag:$0x1] =	stream.indirect_vreg.gather [hbm4b:s3+s2], $0x80, v3, vm0, $0xb8;
	[tilespmem:$0x8400] =	vst v63  }
0xf6: {  	v3 =	vld [tilespmem:$0x150];
	_ =	sdelay $0x4  }
0xf7: {  	v21 =	vshll.u32 v3, $0x1  }
0xf8: {  	v3 =	vand.u32 $0x7, v3;
	v4 =	vand.u32 $0xFFFFFFF0, v21  }
0xf9: {  	v3 =	vor.u32 v3, v4  }
0xfa: {  	v4 =	vperm.xlane v3, v0;
	_ =	sdelay $0x1  }
0xfb: {  	v3 =	vperm.xlane v3, v2;
	v4 =	vadd.s32 v1, v4;
	_ =	sdelay $0x1  }
0xfc: {  	v3 =	vadd.s32 v1, v3;
	_ =	sdelay $0x2  }
0xfd: {  	[tilespmem:s24], [sflag:$0x1] =	stream.indirect_vreg.gather [hbm4b:s3+s2], $0x80, v4, vm0, $0xb8;
	[tilespmem:$0x8400] =	vst v63  }
0xfe: {  	_ = 	snop  }
0xff: {  	[tilespmem:s25], [sflag:$0x1] =	stream.indirect_vreg.gather [hbm4b:s3+s2], $0x80, v3, vm0, $0xb8;
	[tilespmem:$0x8400] =	vst v63  }
0x100: {  	v3 =	vld [tilespmem:$0x160];
	_ =	sdelay $0x4  }
0x101: {  	v22 =	vshll.u32 v3, $0x1  }
0x102: {  	v3 =	vand.u32 $0x7, v3;
	v4 =	vand.u32 $0xFFFFFFF0, v22  }
0x103: {  	v3 =	vor.u32 v3, v4  }
0x104: {  	v4 =	vperm.xlane v3, v0;
	_ =	sdelay $0x1  }
0x105: {  	v3 =	vperm.xlane v3, v2;
	v4 =	vadd.s32 v1, v4;
	_ =	sdelay $0x1  }
0x106: {  	v3 =	vadd.s32 v1, v3;
	_ =	sdelay $0x2  }
0x107: {  	[tilespmem:s26], [sflag:$0x1] =	stream.indirect_vreg.gather [hbm4b:s3+s2], $0x80, v4, vm0, $0xb8;
	[tilespmem:$0x8400] =	vst v63  }
0x108: {  	_ = 	snop  }
0x109: {  	[tilespmem:s28], [sflag:$0x1] =	stream.indirect_vreg.gather [hbm4b:s3+s2], $0x80, v3, vm0, $0xb8;
	[tilespmem:$0x8400] =	vst v63  }
0x10a: {  	v3 =	vld [tilespmem:$0x170];
	_ =	sdelay $0x4  }
0x10b: {  	v23 =	vshll.u32 v3, $0x1  }
0x10c: {  	v3 =	vand.u32 $0x7, v3;
	v4 =	vand.u32 $0xFFFFFFF0, v23  }
0x10d: {  	v3 =	vor.u32 v3, v4  }
0x10e: {  	v4 =	vperm.xlane v3, v0;
	_ =	sdelay $0x1  }
0x10f: {  	v3 =	vperm.xlane v3, v2;
	v4 =	vadd.s32 v1, v4;
	_ =	sdelay $0x1  }
0x110: {  	v3 =	vadd.s32 v1, v3;
	_ =	sdelay $0x2  }
0x111: {  	[tilespmem:s29], [sflag:$0x1] =	stream.indirect_vreg.gather [hbm4b:s3+s2], $0x80, v4, vm0, $0xb8;
	[tilespmem:$0x8400] =	vst v63  }
0x112: {  	_ = 	snop  }
0x113: {  	[tilespmem:s30], [sflag:$0x1] =	stream.indirect_vreg.gather [hbm4b:s3+s2], $0x80, v3, vm0, $0xb8;
	[tilespmem:$0x8400] =	vst v63  }
0x114: {  	_ =	swait.ge [sflag:s31], $0x8000  }
0x115: {  	[sflag:s31] =	ssyncset.done $0x0  }
0x116: {  	[sflag:s31] =	ssyncadd.s32 $0xFFFF8000  }
0x117: {  	[hbm4b:s6+s2] =	stream.linear.scatter [tilespmem:s14], [sflag:$0x2], $0x8000, $0x38;
	[tilespmem:$0x8400] =	vst v63  }
0x118: {  	_ =	swait.ge [sflag:s13], $0x8000  }
0x119: {  	[sflag:s13] =	ssyncset.done $0x0  }
0x11a: {  	[sflag:s13] =	ssyncadd.s32 $0xFFFF8000  }
0x11b: {  	v3 =	vld [tilespmem:$0x180];
	_ =	sdelay $0x4  }
0x11c: {  	v24 =	vshll.u32 v3, $0x1  }
0x11d: {  	v3 =	vand.u32 $0x7, v3;
	v4 =	vand.u32 $0xFFFFFFF0, v24  }
0x11e: {  	v3 =	vor.u32 v3, v4  }
0x11f: {  	v4 =	vperm.xlane v3, v0;
	_ =	sdelay $0x1  }
0x120: {  	v3 =	vperm.xlane v3, v2;
	v4 =	vadd.s32 v1, v4;
	_ =	sdelay $0x1  }
0x121: {  	v3 =	vadd.s32 v1, v3;
	_ =	sdelay $0x2  }
0x122: {  	[tilespmem:s14], [sflag:$0x1] =	stream.indirect_vreg.gather [hbm4b:s3+s2], $0x80, v4, vm0, $0xb8;
	[tilespmem:$0x8400] =	vst v63  }
0x123: {  	_ = 	snop  }
0x124: {  	[tilespmem:s15], [sflag:$0x1] =	stream.indirect_vreg.gather [hbm4b:s3+s2], $0x80, v3, vm0, $0xb8;
	[tilespmem:$0x8400] =	vst v63  }
0x125: {  	v3 =	vld [tilespmem:$0x190];
	_ =	sdelay $0x4  }
0x126: {  	v25 =	vshll.u32 v3, $0x1  }
0x127: {  	v3 =	vand.u32 $0x7, v3;
	v4 =	vand.u32 $0xFFFFFFF0, v25  }
0x128: {  	v3 =	vor.u32 v3, v4  }
0x129: {  	v4 =	vperm.xlane v3, v0;
	_ =	sdelay $0x1  }
0x12a: {  	v3 =	vperm.xlane v3, v2;
	v4 =	vadd.s32 v1, v4;
	_ =	sdelay $0x1  }
0x12b: {  	v3 =	vadd.s32 v1, v3;
	_ =	sdelay $0x2  }
0x12c: {  	[tilespmem:s16], [sflag:$0x1] =	stream.indirect_vreg.gather [hbm4b:s3+s2], $0x80, v4, vm0, $0xb8;
	[tilespmem:$0x8400] =	vst v63  }
0x12d: {  	_ = 	snop  }
0x12e: {  	[tilespmem:s17], [sflag:$0x1] =	stream.indirect_vreg.gather [hbm4b:s3+s2], $0x80, v3, vm0, $0xb8;
	[tilespmem:$0x8400] =	vst v63  }
0x12f: {  	v3 =	vld [tilespmem:$0x1A0];
	_ =	sdelay $0x4  }
0x130: {  	v26 =	vshll.u32 v3, $0x1  }
0x131: {  	v3 =	vand.u32 $0x7, v3;
	v4 =	vand.u32 $0xFFFFFFF0, v26  }
0x132: {  	v3 =	vor.u32 v3, v4  }
0x133: {  	v4 =	vperm.xlane v3, v0;
	_ =	sdelay $0x1  }
0x134: {  	v3 =	vperm.xlane v3, v2;
	v4 =	vadd.s32 v1, v4;
	_ =	sdelay $0x1  }
0x135: {  	v3 =	vadd.s32 v1, v3;
	_ =	sdelay $0x2  }
0x136: {  	[tilespmem:s18], [sflag:$0x1] =	stream.indirect_vreg.gather [hbm4b:s3+s2], $0x80, v4, vm0, $0xb8;
	[tilespmem:$0x8400] =	vst v63  }
0x137: {  	_ = 	snop  }
0x138: {  	[tilespmem:s19], [sflag:$0x1] =	stream.indirect_vreg.gather [hbm4b:s3+s2], $0x80, v3, vm0, $0xb8;
	[tilespmem:$0x8400] =	vst v63  }
0x139: {  	v3 =	vld [tilespmem:$0x1B0];
	_ =	sdelay $0x4  }
0x13a: {  	v27 =	vshll.u32 v3, $0x1  }
0x13b: {  	v3 =	vand.u32 $0x7, v3;
	v4 =	vand.u32 $0xFFFFFFF0, v27  }
0x13c: {  	v3 =	vor.u32 v3, v4  }
0x13d: {  	v4 =	vperm.xlane v3, v0;
	_ =	sdelay $0x1  }
0x13e: {  	v3 =	vperm.xlane v3, v2;
	v4 =	vadd.s32 v1, v4;
	_ =	sdelay $0x1  }
0x13f: {  	v3 =	vadd.s32 v1, v3;
	_ =	sdelay $0x2  }
0x140: {  	[tilespmem:s20], [sflag:$0x1] =	stream.indirect_vreg.gather [hbm4b:s3+s2], $0x80, v4, vm0, $0xb8;
	[tilespmem:$0x8400] =	vst v63  }
0x141: {  	_ = 	snop  }
0x142: {  	[tilespmem:s21], [sflag:$0x1] =	stream.indirect_vreg.gather [hbm4b:s3+s2], $0x80, v3, vm0, $0xb8;
	[tilespmem:$0x8400] =	vst v63  }
0x143: {  	v3 =	vld [tilespmem:$0x1C0];
	_ =	sdelay $0x4  }
0x144: {  	v28 =	vshll.u32 v3, $0x1  }
0x145: {  	v3 =	vand.u32 $0x7, v3;
	v4 =	vand.u32 $0xFFFFFFF0, v28  }
0x146: {  	v3 =	vor.u32 v3, v4  }
0x147: {  	v4 =	vperm.xlane v3, v0;
	_ =	sdelay $0x1  }
0x148: {  	v3 =	vperm.xlane v3, v2;
	v4 =	vadd.s32 v1, v4;
	_ =	sdelay $0x1  }
0x149: {  	v3 =	vadd.s32 v1, v3;
	_ =	sdelay $0x2  }
0x14a: {  	[tilespmem:s22], [sflag:$0x1] =	stream.indirect_vreg.gather [hbm4b:s3+s2], $0x80, v4, vm0, $0xb8;
	[tilespmem:$0x8400] =	vst v63  }
0x14b: {  	_ = 	snop  }
0x14c: {  	[tilespmem:s23], [sflag:$0x1] =	stream.indirect_vreg.gather [hbm4b:s3+s2], $0x80, v3, vm0, $0xb8;
	[tilespmem:$0x8400] =	vst v63  }
0x14d: {  	v3 =	vld [tilespmem:$0x1D0];
	_ =	sdelay $0x4  }
0x14e: {  	v29 =	vshll.u32 v3, $0x1  }
0x14f: {  	v3 =	vand.u32 $0x7, v3;
	v4 =	vand.u32 $0xFFFFFFF0, v29  }
0x150: {  	v3 =	vor.u32 v3, v4  }
0x151: {  	v4 =	vperm.xlane v3, v0;
	_ =	sdelay $0x1  }
0x152: {  	v3 =	vperm.xlane v3, v2;
	v4 =	vadd.s32 v1, v4;
	_ =	sdelay $0x1  }
0x153: {  	v3 =	vadd.s32 v1, v3;
	_ =	sdelay $0x2  }
0x154: {  	[tilespmem:s24], [sflag:$0x1] =	stream.indirect_vreg.gather [hbm4b:s3+s2], $0x80, v4, vm0, $0xb8;
	[tilespmem:$0x8400] =	vst v63  }
0x155: {  	_ = 	snop  }
0x156: {  	[tilespmem:s25], [sflag:$0x1] =	stream.indirect_vreg.gather [hbm4b:s3+s2], $0x80, v3, vm0, $0xb8;
	[tilespmem:$0x8400] =	vst v63  }
0x157: {  	v3 =	vld [tilespmem:$0x1E0];
	_ =	sdelay $0x4  }
0x158: {  	v30 =	vshll.u32 v3, $0x1  }
0x159: {  	v3 =	vand.u32 $0x7, v3;
	v4 =	vand.u32 $0xFFFFFFF0, v30  }
0x15a: {  	v3 =	vor.u32 v3, v4  }
0x15b: {  	v4 =	vperm.xlane v3, v0;
	_ =	sdelay $0x1  }
0x15c: {  	v3 =	vperm.xlane v3, v2;
	v4 =	vadd.s32 v1, v4;
	_ =	sdelay $0x1  }
0x15d: {  	v3 =	vadd.s32 v1, v3;
	_ =	sdelay $0x2  }
0x15e: {  	[tilespmem:s26], [sflag:$0x1] =	stream.indirect_vreg.gather [hbm4b:s3+s2], $0x80, v4, vm0, $0xb8;
	[tilespmem:$0x8400] =	vst v63  }
0x15f: {  	_ = 	snop  }
0x160: {  	[tilespmem:s28], [sflag:$0x1] =	stream.indirect_vreg.gather [hbm4b:s3+s2], $0x80, v3, vm0, $0xb8;
	[tilespmem:$0x8400] =	vst v63  }
0x161: {  	v3 =	vld [tilespmem:$0x1F0];
	_ =	sdelay $0x4  }
0x162: {  	v31 =	vshll.u32 v3, $0x1  }
0x163: {  	v3 =	vand.u32 $0x7, v3;
	v4 =	vand.u32 $0xFFFFFFF0, v31  }
0x164: {  	v3 =	vor.u32 v3, v4  }
0x165: {  	v4 =	vperm.xlane v3, v0;
	_ =	sdelay $0x1  }
0x166: {  	v3 =	vperm.xlane v3, v2;
	v4 =	vadd.s32 v1, v4;
	_ =	sdelay $0x1  }
0x167: {  	v3 =	vadd.s32 v1, v3;
	_ =	sdelay $0x2  }
0x168: {  	[tilespmem:s29], [sflag:$0x1] =	stream.indirect_vreg.gather [hbm4b:s3+s2], $0x80, v4, vm0, $0xb8;
	[tilespmem:$0x8400] =	vst v63  }
0x169: {  	_ = 	snop  }
0x16a: {  	[tilespmem:s30], [sflag:$0x1] =	stream.indirect_vreg.gather [hbm4b:s3+s2], $0x80, v3, vm0, $0xb8;
	[tilespmem:$0x8400] =	vst v63  }
0x16b: {  	_ =	swait.ge [sflag:s31], $0x8000  }
0x16c: {  	[sflag:s31] =	ssyncset.done $0x0  }
0x16d: {  	[sflag:s31] =	ssyncadd.s32 $0xFFFF8000  }
0x16e: {  	[hbm4b:s7+s2] =	stream.linear.scatter [tilespmem:s14], [sflag:$0x2], $0x8000, $0x38;
	[tilespmem:$0x8400] =	vst v63  }
0x16f: {  	_ =	swait.ge [sflag:s13], $0x8000  }
0x170: {  	[sflag:s13] =	ssyncset.done $0x0  }
0x171: {  	[sflag:s13] =	ssyncadd.s32 $0xFFFF8000  }
0x172: {  	v3 =	vld [tilespmem:$0x200];
	_ =	sdelay $0x4  }
0x173: {  	v32 =	vshll.u32 v3, $0x1  }
0x174: {  	v3 =	vand.u32 $0x7, v3;
	v4 =	vand.u32 $0xFFFFFFF0, v32  }
0x175: {  	v3 =	vor.u32 v3, v4  }
0x176: {  	v4 =	vperm.xlane v3, v0;
	_ =	sdelay $0x1  }
0x177: {  	v3 =	vperm.xlane v3, v2;
	v4 =	vadd.s32 v1, v4;
	_ =	sdelay $0x1  }
0x178: {  	v3 =	vadd.s32 v1, v3;
	_ =	sdelay $0x2  }
0x179: {  	[tilespmem:s14], [sflag:$0x1] =	stream.indirect_vreg.gather [hbm4b:s3+s2], $0x80, v4, vm0, $0xb8;
	[tilespmem:$0x8400] =	vst v63  }
0x17a: {  	_ = 	snop  }
0x17b: {  	[tilespmem:s15], [sflag:$0x1] =	stream.indirect_vreg.gather [hbm4b:s3+s2], $0x80, v3, vm0, $0xb8;
	[tilespmem:$0x8400] =	vst v63  }
0x17c: {  	v3 =	vld [tilespmem:$0x210];
	_ =	sdelay $0x4  }
0x17d: {  	v33 =	vshll.u32 v3, $0x1  }
0x17e: {  	v3 =	vand.u32 $0x7, v3;
	v4 =	vand.u32 $0xFFFFFFF0, v33  }
0x17f: {  	v3 =	vor.u32 v3, v4  }
0x180: {  	v4 =	vperm.xlane v3, v0;
	_ =	sdelay $0x1  }
0x181: {  	v3 =	vperm.xlane v3, v2;
	v4 =	vadd.s32 v1, v4;
	_ =	sdelay $0x1  }
0x182: {  	v3 =	vadd.s32 v1, v3;
	_ =	sdelay $0x2  }
0x183: {  	[tilespmem:s16], [sflag:$0x1] =	stream.indirect_vreg.gather [hbm4b:s3+s2], $0x80, v4, vm0, $0xb8;
	[tilespmem:$0x8400] =	vst v63  }
0x184: {  	_ = 	snop  }
0x185: {  	[tilespmem:s17], [sflag:$0x1] =	stream.indirect_vreg.gather [hbm4b:s3+s2], $0x80, v3, vm0, $0xb8;
	[tilespmem:$0x8400] =	vst v63  }
0x186: {  	v3 =	vld [tilespmem:$0x220];
	_ =	sdelay $0x4  }
0x187: {  	v34 =	vshll.u32 v3, $0x1  }
0x188: {  	v3 =	vand.u32 $0x7, v3;
	v4 =	vand.u32 $0xFFFFFFF0, v34  }
0x189: {  	v3 =	vor.u32 v3, v4  }
0x18a: {  	v4 =	vperm.xlane v3, v0;
	_ =	sdelay $0x1  }
0x18b: {  	v3 =	vperm.xlane v3, v2;
	v4 =	vadd.s32 v1, v4;
	_ =	sdelay $0x1  }
0x18c: {  	v3 =	vadd.s32 v1, v3;
	_ =	sdelay $0x2  }
0x18d: {  	[tilespmem:s18], [sflag:$0x1] =	stream.indirect_vreg.gather [hbm4b:s3+s2], $0x80, v4, vm0, $0xb8;
	[tilespmem:$0x8400] =	vst v63  }
0x18e: {  	_ = 	snop  }
0x18f: {  	[tilespmem:s19], [sflag:$0x1] =	stream.indirect_vreg.gather [hbm4b:s3+s2], $0x80, v3, vm0, $0xb8;
	[tilespmem:$0x8400] =	vst v63  }
0x190: {  	v3 =	vld [tilespmem:$0x230];
	_ =	sdelay $0x4  }
0x191: {  	v35 =	vshll.u32 v3, $0x1  }
0x192: {  	v3 =	vand.u32 $0x7, v3;
	v4 =	vand.u32 $0xFFFFFFF0, v35  }
0x193: {  	v3 =	vor.u32 v3, v4  }
0x194: {  	v4 =	vperm.xlane v3, v0;
	_ =	sdelay $0x1  }
0x195: {  	v3 =	vperm.xlane v3, v2;
	v4 =	vadd.s32 v1, v4;
	_ =	sdelay $0x1  }
0x196: {  	v3 =	vadd.s32 v1, v3;
	_ =	sdelay $0x2  }
0x197: {  	[tilespmem:s20], [sflag:$0x1] =	stream.indirect_vreg.gather [hbm4b:s3+s2], $0x80, v4, vm0, $0xb8;
	[tilespmem:$0x8400] =	vst v63  }
0x198: {  	_ = 	snop  }
0x199: {  	[tilespmem:s21], [sflag:$0x1] =	stream.indirect_vreg.gather [hbm4b:s3+s2], $0x80, v3, vm0, $0xb8;
	[tilespmem:$0x8400] =	vst v63  }
0x19a: {  	v3 =	vld [tilespmem:$0x240];
	_ =	sdelay $0x4  }
0x19b: {  	v36 =	vshll.u32 v3, $0x1  }
0x19c: {  	v3 =	vand.u32 $0x7, v3;
	v4 =	vand.u32 $0xFFFFFFF0, v36  }
0x19d: {  	v3 =	vor.u32 v3, v4  }
0x19e: {  	v4 =	vperm.xlane v3, v0;
	_ =	sdelay $0x1  }
0x19f: {  	v3 =	vperm.xlane v3, v2;
	v4 =	vadd.s32 v1, v4;
	_ =	sdelay $0x1  }
0x1a0: {  	v3 =	vadd.s32 v1, v3;
	_ =	sdelay $0x2  }
0x1a1: {  	[tilespmem:s22], [sflag:$0x1] =	stream.indirect_vreg.gather [hbm4b:s3+s2], $0x80, v4, vm0, $0xb8;
	[tilespmem:$0x8400] =	vst v63  }
0x1a2: {  	_ = 	snop  }
0x1a3: {  	[tilespmem:s23], [sflag:$0x1] =	stream.indirect_vreg.gather [hbm4b:s3+s2], $0x80, v3, vm0, $0xb8;
	[tilespmem:$0x8400] =	vst v63  }
0x1a4: {  	v3 =	vld [tilespmem:$0x250];
	_ =	sdelay $0x4  }
0x1a5: {  	v37 =	vshll.u32 v3, $0x1  }
0x1a6: {  	v3 =	vand.u32 $0x7, v3;
	v4 =	vand.u32 $0xFFFFFFF0, v37  }
0x1a7: {  	v3 =	vor.u32 v3, v4  }
0x1a8: {  	v4 =	vperm.xlane v3, v0;
	_ =	sdelay $0x1  }
0x1a9: {  	v3 =	vperm.xlane v3, v2;
	v4 =	vadd.s32 v1, v4;
	_ =	sdelay $0x1  }
0x1aa: {  	v3 =	vadd.s32 v1, v3;
	_ =	sdelay $0x2  }
0x1ab: {  	[tilespmem:s24], [sflag:$0x1] =	stream.indirect_vreg.gather [hbm4b:s3+s2], $0x80, v4, vm0, $0xb8;
	[tilespmem:$0x8400] =	vst v63  }
0x1ac: {  	_ = 	snop  }
0x1ad: {  	[tilespmem:s25], [sflag:$0x1] =	stream.indirect_vreg.gather [hbm4b:s3+s2], $0x80, v3, vm0, $0xb8;
	[tilespmem:$0x8400] =	vst v63  }
0x1ae: {  	v3 =	vld [tilespmem:$0x260];
	_ =	sdelay $0x4  }
0x1af: {  	v38 =	vshll.u32 v3, $0x1  }
0x1b0: {  	v3 =	vand.u32 $0x7, v3;
	v4 =	vand.u32 $0xFFFFFFF0, v38  }
0x1b1: {  	v3 =	vor.u32 v3, v4  }
0x1b2: {  	v4 =	vperm.xlane v3, v0;
	_ =	sdelay $0x1  }
0x1b3: {  	v3 =	vperm.xlane v3, v2;
	v4 =	vadd.s32 v1, v4;
	_ =	sdelay $0x1  }
0x1b4: {  	v3 =	vadd.s32 v1, v3;
	_ =	sdelay $0x2  }
0x1b5: {  	[tilespmem:s26], [sflag:$0x1] =	stream.indirect_vreg.gather [hbm4b:s3+s2], $0x80, v4, vm0, $0xb8;
	[tilespmem:$0x8400] =	vst v63  }
0x1b6: {  	_ = 	snop  }
0x1b7: {  	[tilespmem:s28], [sflag:$0x1] =	stream.indirect_vreg.gather [hbm4b:s3+s2], $0x80, v3, vm0, $0xb8;
	[tilespmem:$0x8400] =	vst v63  }
0x1b8: {  	v3 =	vld [tilespmem:$0x270];
	_ =	sdelay $0x4  }
0x1b9: {  	v39 =	vshll.u32 v3, $0x1  }
0x1ba: {  	v3 =	vand.u32 $0x7, v3;
	v4 =	vand.u32 $0xFFFFFFF0, v39  }
0x1bb: {  	v3 =	vor.u32 v3, v4  }
0x1bc: {  	v4 =	vperm.xlane v3, v0;
	_ =	sdelay $0x1  }
0x1bd: {  	v3 =	vperm.xlane v3, v2;
	v4 =	vadd.s32 v1, v4;
	_ =	sdelay $0x1  }
0x1be: {  	v3 =	vadd.s32 v1, v3;
	_ =	sdelay $0x2  }
0x1bf: {  	[tilespmem:s29], [sflag:$0x1] =	stream.indirect_vreg.gather [hbm4b:s3+s2], $0x80, v4, vm0, $0xb8;
	[tilespmem:$0x8400] =	vst v63  }
0x1c0: {  	_ = 	snop  }
0x1c1: {  	[tilespmem:s30], [sflag:$0x1] =	stream.indirect_vreg.gather [hbm4b:s3+s2], $0x80, v3, vm0, $0xb8;
	[tilespmem:$0x8400] =	vst v63  }
0x1c2: {  	_ =	swait.ge [sflag:s31], $0x8000  }
0x1c3: {  	[sflag:s31] =	ssyncset.done $0x0  }
0x1c4: {  	[sflag:s31] =	ssyncadd.s32 $0xFFFF8000  }
0x1c5: {  	[hbm4b:s8+s2] =	stream.linear.scatter [tilespmem:s14], [sflag:$0x2], $0x8000, $0x38;
	[tilespmem:$0x8400] =	vst v63  }
0x1c6: {  	_ =	swait.ge [sflag:s13], $0x8000  }
0x1c7: {  	[sflag:s13] =	ssyncset.done $0x0  }
0x1c8: {  	[sflag:s13] =	ssyncadd.s32 $0xFFFF8000  }
0x1c9: {  	v3 =	vld [tilespmem:$0x280];
	_ =	sdelay $0x4  }
0x1ca: {  	v40 =	vshll.u32 v3, $0x1  }
0x1cb: {  	v3 =	vand.u32 $0x7, v3;
	v4 =	vand.u32 $0xFFFFFFF0, v40  }
0x1cc: {  	v3 =	vor.u32 v3, v4  }
0x1cd: {  	v4 =	vperm.xlane v3, v0;
	_ =	sdelay $0x1  }
0x1ce: {  	v3 =	vperm.xlane v3, v2;
	v4 =	vadd.s32 v1, v4;
	_ =	sdelay $0x1  }
0x1cf: {  	v3 =	vadd.s32 v1, v3;
	_ =	sdelay $0x2  }
0x1d0: {  	[tilespmem:s14], [sflag:$0x1] =	stream.indirect_vreg.gather [hbm4b:s3+s2], $0x80, v4, vm0, $0xb8;
	[tilespmem:$0x8400] =	vst v63  }
0x1d1: {  	_ = 	snop  }
0x1d2: {  	[tilespmem:s15], [sflag:$0x1] =	stream.indirect_vreg.gather [hbm4b:s3+s2], $0x80, v3, vm0, $0xb8;
	[tilespmem:$0x8400] =	vst v63  }
0x1d3: {  	v3 =	vld [tilespmem:$0x290];
	_ =	sdelay $0x4  }
0x1d4: {  	v41 =	vshll.u32 v3, $0x1  }
0x1d5: {  	v3 =	vand.u32 $0x7, v3;
	v4 =	vand.u32 $0xFFFFFFF0, v41  }
0x1d6: {  	v3 =	vor.u32 v3, v4  }
0x1d7: {  	v4 =	vperm.xlane v3, v0;
	_ =	sdelay $0x1  }
0x1d8: {  	v3 =	vperm.xlane v3, v2;
	v4 =	vadd.s32 v1, v4;
	_ =	sdelay $0x1  }
0x1d9: {  	v3 =	vadd.s32 v1, v3;
	_ =	sdelay $0x2  }
0x1da: {  	[tilespmem:s16], [sflag:$0x1] =	stream.indirect_vreg.gather [hbm4b:s3+s2], $0x80, v4, vm0, $0xb8;
	[tilespmem:$0x8400] =	vst v63  }
0x1db: {  	_ = 	snop  }
0x1dc: {  	[tilespmem:s17], [sflag:$0x1] =	stream.indirect_vreg.gather [hbm4b:s3+s2], $0x80, v3, vm0, $0xb8;
	[tilespmem:$0x8400] =	vst v63  }
0x1dd: {  	v3 =	vld [tilespmem:$0x2A0];
	_ =	sdelay $0x4  }
0x1de: {  	v42 =	vshll.u32 v3, $0x1  }
0x1df: {  	v3 =	vand.u32 $0x7, v3;
	v4 =	vand.u32 $0xFFFFFFF0, v42  }
0x1e0: {  	v3 =	vor.u32 v3, v4  }
0x1e1: {  	v4 =	vperm.xlane v3, v0;
	_ =	sdelay $0x1  }
0x1e2: {  	v3 =	vperm.xlane v3, v2;
	v4 =	vadd.s32 v1, v4;
	_ =	sdelay $0x1  }
0x1e3: {  	v3 =	vadd.s32 v1, v3;
	_ =	sdelay $0x2  }
0x1e4: {  	[tilespmem:s18], [sflag:$0x1] =	stream.indirect_vreg.gather [hbm4b:s3+s2], $0x80, v4, vm0, $0xb8;
	[tilespmem:$0x8400] =	vst v63  }
0x1e5: {  	_ = 	snop  }
0x1e6: {  	[tilespmem:s19], [sflag:$0x1] =	stream.indirect_vreg.gather [hbm4b:s3+s2], $0x80, v3, vm0, $0xb8;
	[tilespmem:$0x8400] =	vst v63  }
0x1e7: {  	v3 =	vld [tilespmem:$0x2B0];
	_ =	sdelay $0x4  }
0x1e8: {  	v43 =	vshll.u32 v3, $0x1  }
0x1e9: {  	v3 =	vand.u32 $0x7, v3;
	v4 =	vand.u32 $0xFFFFFFF0, v43  }
0x1ea: {  	v3 =	vor.u32 v3, v4  }
0x1eb: {  	v4 =	vperm.xlane v3, v0;
	_ =	sdelay $0x1  }
0x1ec: {  	v3 =	vperm.xlane v3, v2;
	v4 =	vadd.s32 v1, v4;
	_ =	sdelay $0x1  }
0x1ed: {  	v3 =	vadd.s32 v1, v3;
	_ =	sdelay $0x2  }
0x1ee: {  	[tilespmem:s20], [sflag:$0x1] =	stream.indirect_vreg.gather [hbm4b:s3+s2], $0x80, v4, vm0, $0xb8;
	[tilespmem:$0x8400] =	vst v63  }
0x1ef: {  	_ = 	snop  }
0x1f0: {  	[tilespmem:s21], [sflag:$0x1] =	stream.indirect_vreg.gather [hbm4b:s3+s2], $0x80, v3, vm0, $0xb8;
	[tilespmem:$0x8400] =	vst v63  }
0x1f1: {  	v3 =	vld [tilespmem:$0x2C0];
	_ =	sdelay $0x4  }
0x1f2: {  	v44 =	vshll.u32 v3, $0x1  }
0x1f3: {  	v3 =	vand.u32 $0x7, v3;
	v4 =	vand.u32 $0xFFFFFFF0, v44  }
0x1f4: {  	v3 =	vor.u32 v3, v4  }
0x1f5: {  	v4 =	vperm.xlane v3, v0;
	_ =	sdelay $0x1  }
0x1f6: {  	v3 =	vperm.xlane v3, v2;
	v4 =	vadd.s32 v1, v4;
	_ =	sdelay $0x1  }
0x1f7: {  	v3 =	vadd.s32 v1, v3;
	_ =	sdelay $0x2  }
0x1f8: {  	[tilespmem:s22], [sflag:$0x1] =	stream.indirect_vreg.gather [hbm4b:s3+s2], $0x80, v4, vm0, $0xb8;
	[tilespmem:$0x8400] =	vst v63  }
0x1f9: {  	_ = 	snop  }
0x1fa: {  	[tilespmem:s23], [sflag:$0x1] =	stream.indirect_vreg.gather [hbm4b:s3+s2], $0x80, v3, vm0, $0xb8;
	[tilespmem:$0x8400] =	vst v63  }
0x1fb: {  	v3 =	vld [tilespmem:$0x2D0];
	_ =	sdelay $0x4  }
0x1fc: {  	v45 =	vshll.u32 v3, $0x1  }
0x1fd: {  	v3 =	vand.u32 $0x7, v3;
	v4 =	vand.u32 $0xFFFFFFF0, v45  }
0x1fe: {  	v3 =	vor.u32 v3, v4  }
0x1ff: {  	v4 =	vperm.xlane v3, v0;
	_ =	sdelay $0x1  }
0x200: {  	v3 =	vperm.xlane v3, v2;
	v4 =	vadd.s32 v1, v4;
	_ =	sdelay $0x1  }
0x201: {  	v3 =	vadd.s32 v1, v3;
	_ =	sdelay $0x2  }
0x202: {  	[tilespmem:s24], [sflag:$0x1] =	stream.indirect_vreg.gather [hbm4b:s3+s2], $0x80, v4, vm0, $0xb8;
	[tilespmem:$0x8400] =	vst v63  }
0x203: {  	_ = 	snop  }
0x204: {  	[tilespmem:s25], [sflag:$0x1] =	stream.indirect_vreg.gather [hbm4b:s3+s2], $0x80, v3, vm0, $0xb8;
	[tilespmem:$0x8400] =	vst v63  }
0x205: {  	v3 =	vld [tilespmem:$0x2E0];
	_ =	sdelay $0x4  }
0x206: {  	v46 =	vshll.u32 v3, $0x1  }
0x207: {  	v3 =	vand.u32 $0x7, v3;
	v4 =	vand.u32 $0xFFFFFFF0, v46  }
0x208: {  	v3 =	vor.u32 v3, v4  }
0x209: {  	v4 =	vperm.xlane v3, v0;
	_ =	sdelay $0x1  }
0x20a: {  	v3 =	vperm.xlane v3, v2;
	v4 =	vadd.s32 v1, v4;
	_ =	sdelay $0x1  }
0x20b: {  	v3 =	vadd.s32 v1, v3;
	_ =	sdelay $0x2  }
0x20c: {  	[tilespmem:s26], [sflag:$0x1] =	stream.indirect_vreg.gather [hbm4b:s3+s2], $0x80, v4, vm0, $0xb8;
	[tilespmem:$0x8400] =	vst v63  }
0x20d: {  	_ = 	snop  }
0x20e: {  	[tilespmem:s28], [sflag:$0x1] =	stream.indirect_vreg.gather [hbm4b:s3+s2], $0x80, v3, vm0, $0xb8;
	[tilespmem:$0x8400] =	vst v63  }
0x20f: {  	v3 =	vld [tilespmem:$0x2F0];
	_ =	sdelay $0x4  }
0x210: {  	v47 =	vshll.u32 v3, $0x1  }
0x211: {  	v3 =	vand.u32 $0x7, v3;
	v4 =	vand.u32 $0xFFFFFFF0, v47  }
0x212: {  	v3 =	vor.u32 v3, v4  }
0x213: {  	v4 =	vperm.xlane v3, v0;
	_ =	sdelay $0x1  }
0x214: {  	v3 =	vperm.xlane v3, v2;
	v4 =	vadd.s32 v1, v4;
	_ =	sdelay $0x1  }
0x215: {  	v3 =	vadd.s32 v1, v3;
	_ =	sdelay $0x2  }
0x216: {  	[tilespmem:s29], [sflag:$0x1] =	stream.indirect_vreg.gather [hbm4b:s3+s2], $0x80, v4, vm0, $0xb8;
	[tilespmem:$0x8400] =	vst v63  }
0x217: {  	_ = 	snop  }
0x218: {  	[tilespmem:s30], [sflag:$0x1] =	stream.indirect_vreg.gather [hbm4b:s3+s2], $0x80, v3, vm0, $0xb8;
	[tilespmem:$0x8400] =	vst v63  }
0x219: {  	_ =	swait.ge [sflag:s31], $0x8000  }
0x21a: {  	[sflag:s31] =	ssyncset.done $0x0  }
0x21b: {  	[sflag:s31] =	ssyncadd.s32 $0xFFFF8000  }
0x21c: {  	[hbm4b:s9+s2] =	stream.linear.scatter [tilespmem:s14], [sflag:$0x2], $0x8000, $0x38;
	[tilespmem:$0x8400] =	vst v63  }
0x21d: {  	_ =	swait.ge [sflag:s13], $0x8000  }
0x21e: {  	[sflag:s13] =	ssyncset.done $0x0  }
0x21f: {  	[sflag:s13] =	ssyncadd.s32 $0xFFFF8000  }
0x220: {  	v3 =	vld [tilespmem:$0x300];
	_ =	sdelay $0x4  }
0x221: {  	v48 =	vshll.u32 v3, $0x1  }
0x222: {  	v3 =	vand.u32 $0x7, v3;
	v4 =	vand.u32 $0xFFFFFFF0, v48  }
0x223: {  	v3 =	vor.u32 v3, v4  }
0x224: {  	v4 =	vperm.xlane v3, v0;
	_ =	sdelay $0x1  }
0x225: {  	v3 =	vperm.xlane v3, v2;
	v4 =	vadd.s32 v1, v4;
	_ =	sdelay $0x1  }
0x226: {  	v3 =	vadd.s32 v1, v3;
	_ =	sdelay $0x2  }
0x227: {  	[tilespmem:s14], [sflag:$0x1] =	stream.indirect_vreg.gather [hbm4b:s3+s2], $0x80, v4, vm0, $0xb8;
	[tilespmem:$0x8400] =	vst v63  }
0x228: {  	_ = 	snop  }
0x229: {  	[tilespmem:s15], [sflag:$0x1] =	stream.indirect_vreg.gather [hbm4b:s3+s2], $0x80, v3, vm0, $0xb8;
	[tilespmem:$0x8400] =	vst v63  }
0x22a: {  	v3 =	vld [tilespmem:$0x310];
	_ =	sdelay $0x4  }
0x22b: {  	v49 =	vshll.u32 v3, $0x1  }
0x22c: {  	v3 =	vand.u32 $0x7, v3;
	v4 =	vand.u32 $0xFFFFFFF0, v49  }
0x22d: {  	v3 =	vor.u32 v3, v4  }
0x22e: {  	v4 =	vperm.xlane v3, v0;
	_ =	sdelay $0x1  }
0x22f: {  	v3 =	vperm.xlane v3, v2;
	v4 =	vadd.s32 v1, v4;
	_ =	sdelay $0x1  }
0x230: {  	v3 =	vadd.s32 v1, v3;
	_ =	sdelay $0x2  }
0x231: {  	[tilespmem:s16], [sflag:$0x1] =	stream.indirect_vreg.gather [hbm4b:s3+s2], $0x80, v4, vm0, $0xb8;
	[tilespmem:$0x8400] =	vst v63  }
0x232: {  	_ = 	snop  }
0x233: {  	[tilespmem:s17], [sflag:$0x1] =	stream.indirect_vreg.gather [hbm4b:s3+s2], $0x80, v3, vm0, $0xb8;
	[tilespmem:$0x8400] =	vst v63  }
0x234: {  	v3 =	vld [tilespmem:$0x320];
	_ =	sdelay $0x4  }
0x235: {  	v50 =	vshll.u32 v3, $0x1  }
0x236: {  	v3 =	vand.u32 $0x7, v3;
	v4 =	vand.u32 $0xFFFFFFF0, v50  }
0x237: {  	v3 =	vor.u32 v3, v4  }
0x238: {  	v4 =	vperm.xlane v3, v0;
	_ =	sdelay $0x1  }
0x239: {  	v3 =	vperm.xlane v3, v2;
	v4 =	vadd.s32 v1, v4;
	_ =	sdelay $0x1  }
0x23a: {  	v3 =	vadd.s32 v1, v3;
	_ =	sdelay $0x2  }
0x23b: {  	[tilespmem:s18], [sflag:$0x1] =	stream.indirect_vreg.gather [hbm4b:s3+s2], $0x80, v4, vm0, $0xb8;
	[tilespmem:$0x8400] =	vst v63  }
0x23c: {  	_ = 	snop  }
0x23d: {  	[tilespmem:s19], [sflag:$0x1] =	stream.indirect_vreg.gather [hbm4b:s3+s2], $0x80, v3, vm0, $0xb8;
	[tilespmem:$0x8400] =	vst v63  }
0x23e: {  	v3 =	vld [tilespmem:$0x330];
	_ =	sdelay $0x4  }
0x23f: {  	v51 =	vshll.u32 v3, $0x1  }
0x240: {  	v3 =	vand.u32 $0x7, v3;
	v4 =	vand.u32 $0xFFFFFFF0, v51  }
0x241: {  	v3 =	vor.u32 v3, v4  }
0x242: {  	v4 =	vperm.xlane v3, v0;
	_ =	sdelay $0x1  }
0x243: {  	v3 =	vperm.xlane v3, v2;
	v4 =	vadd.s32 v1, v4;
	_ =	sdelay $0x1  }
0x244: {  	v3 =	vadd.s32 v1, v3;
	_ =	sdelay $0x2  }
0x245: {  	[tilespmem:s20], [sflag:$0x1] =	stream.indirect_vreg.gather [hbm4b:s3+s2], $0x80, v4, vm0, $0xb8;
	[tilespmem:$0x8400] =	vst v63  }
0x246: {  	_ = 	snop  }
0x247: {  	[tilespmem:s21], [sflag:$0x1] =	stream.indirect_vreg.gather [hbm4b:s3+s2], $0x80, v3, vm0, $0xb8;
	[tilespmem:$0x8400] =	vst v63  }
0x248: {  	v3 =	vld [tilespmem:$0x340];
	_ =	sdelay $0x4  }
0x249: {  	v52 =	vshll.u32 v3, $0x1  }
0x24a: {  	v3 =	vand.u32 $0x7, v3;
	v4 =	vand.u32 $0xFFFFFFF0, v52  }
0x24b: {  	v3 =	vor.u32 v3, v4  }
0x24c: {  	v4 =	vperm.xlane v3, v0;
	_ =	sdelay $0x1  }
0x24d: {  	v3 =	vperm.xlane v3, v2;
	v4 =	vadd.s32 v1, v4;
	_ =	sdelay $0x1  }
0x24e: {  	v3 =	vadd.s32 v1, v3;
	_ =	sdelay $0x2  }
0x24f: {  	[tilespmem:s22], [sflag:$0x1] =	stream.indirect_vreg.gather [hbm4b:s3+s2], $0x80, v4, vm0, $0xb8;
	[tilespmem:$0x8400] =	vst v63  }
0x250: {  	_ = 	snop  }
0x251: {  	[tilespmem:s23], [sflag:$0x1] =	stream.indirect_vreg.gather [hbm4b:s3+s2], $0x80, v3, vm0, $0xb8;
	[tilespmem:$0x8400] =	vst v63  }
0x252: {  	v3 =	vld [tilespmem:$0x350];
	_ =	sdelay $0x4  }
0x253: {  	v53 =	vshll.u32 v3, $0x1  }
0x254: {  	v3 =	vand.u32 $0x7, v3;
	v4 =	vand.u32 $0xFFFFFFF0, v53  }
0x255: {  	v3 =	vor.u32 v3, v4  }
0x256: {  	v4 =	vperm.xlane v3, v0;
	_ =	sdelay $0x1  }
0x257: {  	v3 =	vperm.xlane v3, v2;
	v4 =	vadd.s32 v1, v4;
	_ =	sdelay $0x1  }
0x258: {  	v3 =	vadd.s32 v1, v3;
	_ =	sdelay $0x2  }
0x259: {  	[tilespmem:s24], [sflag:$0x1] =	stream.indirect_vreg.gather [hbm4b:s3+s2], $0x80, v4, vm0, $0xb8;
	[tilespmem:$0x8400] =	vst v63  }
0x25a: {  	_ = 	snop  }
0x25b: {  	[tilespmem:s25], [sflag:$0x1] =	stream.indirect_vreg.gather [hbm4b:s3+s2], $0x80, v3, vm0, $0xb8;
	[tilespmem:$0x8400] =	vst v63  }
0x25c: {  	v3 =	vld [tilespmem:$0x360];
	_ =	sdelay $0x4  }
0x25d: {  	v54 =	vshll.u32 v3, $0x1  }
0x25e: {  	v3 =	vand.u32 $0x7, v3;
	v4 =	vand.u32 $0xFFFFFFF0, v54  }
0x25f: {  	v3 =	vor.u32 v3, v4  }
0x260: {  	v4 =	vperm.xlane v3, v0;
	_ =	sdelay $0x1  }
0x261: {  	v3 =	vperm.xlane v3, v2;
	v4 =	vadd.s32 v1, v4;
	_ =	sdelay $0x1  }
0x262: {  	v3 =	vadd.s32 v1, v3;
	_ =	sdelay $0x2  }
0x263: {  	[tilespmem:s26], [sflag:$0x1] =	stream.indirect_vreg.gather [hbm4b:s3+s2], $0x80, v4, vm0, $0xb8;
	[tilespmem:$0x8400] =	vst v63  }
0x264: {  	_ = 	snop  }
0x265: {  	[tilespmem:s28], [sflag:$0x1] =	stream.indirect_vreg.gather [hbm4b:s3+s2], $0x80, v3, vm0, $0xb8;
	[tilespmem:$0x8400] =	vst v63  }
0x266: {  	v3 =	vld [tilespmem:$0x370];
	_ =	sdelay $0x4  }
0x267: {  	v55 =	vshll.u32 v3, $0x1  }
0x268: {  	v3 =	vand.u32 $0x7, v3;
	v4 =	vand.u32 $0xFFFFFFF0, v55  }
0x269: {  	v3 =	vor.u32 v3, v4  }
0x26a: {  	v4 =	vperm.xlane v3, v0;
	_ =	sdelay $0x1  }
0x26b: {  	v3 =	vperm.xlane v3, v2;
	v4 =	vadd.s32 v1, v4;
	_ =	sdelay $0x1  }
0x26c: {  	v3 =	vadd.s32 v1, v3;
	_ =	sdelay $0x2  }
0x26d: {  	[tilespmem:s29], [sflag:$0x1] =	stream.indirect_vreg.gather [hbm4b:s3+s2], $0x80, v4, vm0, $0xb8;
	[tilespmem:$0x8400] =	vst v63  }
0x26e: {  	_ = 	snop  }
0x26f: {  	[tilespmem:s30], [sflag:$0x1] =	stream.indirect_vreg.gather [hbm4b:s3+s2], $0x80, v3, vm0, $0xb8;
	[tilespmem:$0x8400] =	vst v63  }
0x270: {  	_ =	swait.ge [sflag:s31], $0x8000  }
0x271: {  	[sflag:s31] =	ssyncset.done $0x0  }
0x272: {  	[sflag:s31] =	ssyncadd.s32 $0xFFFF8000  }
0x273: {  	[hbm4b:s10+s2] =	stream.linear.scatter [tilespmem:s14], [sflag:$0x2], $0x8000, $0x38;
	[tilespmem:$0x8400] =	vst v63  }
0x274: {  	_ =	swait.ge [sflag:s13], $0x8000  }
0x275: {  	[sflag:s13] =	ssyncset.done $0x0  }
0x276: {  	[sflag:s13] =	ssyncadd.s32 $0xFFFF8000  }
0x277: {  	v3 =	vld [tilespmem:$0x380];
	_ =	sdelay $0x4  }
0x278: {  	v56 =	vshll.u32 v3, $0x1  }
0x279: {  	v3 =	vand.u32 $0x7, v3;
	v4 =	vand.u32 $0xFFFFFFF0, v56  }
0x27a: {  	v3 =	vor.u32 v3, v4  }
0x27b: {  	v4 =	vperm.xlane v3, v0;
	_ =	sdelay $0x1  }
0x27c: {  	v3 =	vperm.xlane v3, v2;
	v4 =	vadd.s32 v1, v4;
	_ =	sdelay $0x1  }
0x27d: {  	v3 =	vadd.s32 v1, v3;
	_ =	sdelay $0x2  }
0x27e: {  	[tilespmem:s14], [sflag:$0x1] =	stream.indirect_vreg.gather [hbm4b:s3+s2], $0x80, v4, vm0, $0xb8;
	[tilespmem:$0x8400] =	vst v63  }
0x27f: {  	_ = 	snop  }
0x280: {  	[tilespmem:s15], [sflag:$0x1] =	stream.indirect_vreg.gather [hbm4b:s3+s2], $0x80, v3, vm0, $0xb8;
	[tilespmem:$0x8400] =	vst v63  }
0x281: {  	v3 =	vld [tilespmem:$0x390];
	_ =	sdelay $0x4  }
0x282: {  	v57 =	vshll.u32 v3, $0x1  }
0x283: {  	v3 =	vand.u32 $0x7, v3;
	v4 =	vand.u32 $0xFFFFFFF0, v57  }
0x284: {  	v3 =	vor.u32 v3, v4  }
0x285: {  	v4 =	vperm.xlane v3, v0;
	_ =	sdelay $0x1  }
0x286: {  	v3 =	vperm.xlane v3, v2;
	v4 =	vadd.s32 v1, v4;
	_ =	sdelay $0x1  }
0x287: {  	v3 =	vadd.s32 v1, v3;
	_ =	sdelay $0x2  }
0x288: {  	[tilespmem:s16], [sflag:$0x1] =	stream.indirect_vreg.gather [hbm4b:s3+s2], $0x80, v4, vm0, $0xb8;
	[tilespmem:$0x8400] =	vst v63  }
0x289: {  	_ = 	snop  }
0x28a: {  	[tilespmem:s17], [sflag:$0x1] =	stream.indirect_vreg.gather [hbm4b:s3+s2], $0x80, v3, vm0, $0xb8;
	[tilespmem:$0x8400] =	vst v63  }
0x28b: {  	v3 =	vld [tilespmem:$0x3A0];
	_ =	sdelay $0x4  }
0x28c: {  	v58 =	vshll.u32 v3, $0x1  }
0x28d: {  	v3 =	vand.u32 $0x7, v3;
	v4 =	vand.u32 $0xFFFFFFF0, v58  }
0x28e: {  	v3 =	vor.u32 v3, v4  }
0x28f: {  	v4 =	vperm.xlane v3, v0;
	_ =	sdelay $0x1  }
0x290: {  	v3 =	vperm.xlane v3, v2;
	v4 =	vadd.s32 v1, v4;
	_ =	sdelay $0x1  }
0x291: {  	v3 =	vadd.s32 v1, v3;
	_ =	sdelay $0x2  }
0x292: {  	[tilespmem:s18], [sflag:$0x1] =	stream.indirect_vreg.gather [hbm4b:s3+s2], $0x80, v4, vm0, $0xb8;
	[tilespmem:$0x8400] =	vst v63  }
0x293: {  	_ = 	snop  }
0x294: {  	[tilespmem:s19], [sflag:$0x1] =	stream.indirect_vreg.gather [hbm4b:s3+s2], $0x80, v3, vm0, $0xb8;
	[tilespmem:$0x8400] =	vst v63  }
0x295: {  	v3 =	vld [tilespmem:$0x3B0];
	_ =	sdelay $0x4  }
0x296: {  	v59 =	vshll.u32 v3, $0x1  }
0x297: {  	v3 =	vand.u32 $0x7, v3;
	v4 =	vand.u32 $0xFFFFFFF0, v59  }
0x298: {  	v3 =	vor.u32 v3, v4  }
0x299: {  	v4 =	vperm.xlane v3, v0;
	_ =	sdelay $0x1  }
0x29a: {  	v3 =	vperm.xlane v3, v2;
	v4 =	vadd.s32 v1, v4;
	_ =	sdelay $0x1  }
0x29b: {  	v3 =	vadd.s32 v1, v3;
	_ =	sdelay $0x2  }
0x29c: {  	[tilespmem:s20], [sflag:$0x1] =	stream.indirect_vreg.gather [hbm4b:s3+s2], $0x80, v4, vm0, $0xb8;
	[tilespmem:$0x8400] =	vst v63  }
0x29d: {  	_ = 	snop  }
0x29e: {  	[tilespmem:s21], [sflag:$0x1] =	stream.indirect_vreg.gather [hbm4b:s3+s2], $0x80, v3, vm0, $0xb8;
	[tilespmem:$0x8400] =	vst v63  }
0x29f: {  	v3 =	vld [tilespmem:$0x3C0];
	_ =	sdelay $0x4  }
0x2a0: {  	v60 =	vshll.u32 v3, $0x1  }
0x2a1: {  	v3 =	vand.u32 $0x7, v3;
	v4 =	vand.u32 $0xFFFFFFF0, v60  }
0x2a2: {  	v3 =	vor.u32 v3, v4  }
0x2a3: {  	v4 =	vperm.xlane v3, v0;
	_ =	sdelay $0x1  }
0x2a4: {  	v3 =	vperm.xlane v3, v2;
	v4 =	vadd.s32 v1, v4;
	_ =	sdelay $0x1  }
0x2a5: {  	v3 =	vadd.s32 v1, v3;
	_ =	sdelay $0x2  }
0x2a6: {  	[tilespmem:s22], [sflag:$0x1] =	stream.indirect_vreg.gather [hbm4b:s3+s2], $0x80, v4, vm0, $0xb8;
	[tilespmem:$0x8400] =	vst v63  }
0x2a7: {  	_ = 	snop  }
0x2a8: {  	[tilespmem:s23], [sflag:$0x1] =	stream.indirect_vreg.gather [hbm4b:s3+s2], $0x80, v3, vm0, $0xb8;
	[tilespmem:$0x8400] =	vst v63  }
0x2a9: {  	v3 =	vld [tilespmem:$0x3D0];
	_ =	sdelay $0x4  }
0x2aa: {  	v61 =	vshll.u32 v3, $0x1  }
0x2ab: {  	v3 =	vand.u32 $0x7, v3;
	v4 =	vand.u32 $0xFFFFFFF0, v61  }
0x2ac: {  	v3 =	vor.u32 v3, v4  }
0x2ad: {  	v4 =	vperm.xlane v3, v0;
	_ =	sdelay $0x1  }
0x2ae: {  	v3 =	vperm.xlane v3, v2;
	v4 =	vadd.s32 v1, v4;
	_ =	sdelay $0x1  }
0x2af: {  	v3 =	vadd.s32 v1, v3;
	_ =	sdelay $0x2  }
0x2b0: {  	[tilespmem:s24], [sflag:$0x1] =	stream.indirect_vreg.gather [hbm4b:s3+s2], $0x80, v4, vm0, $0xb8;
	[tilespmem:$0x8400] =	vst v63  }
0x2b1: {  	_ = 	snop  }
0x2b2: {  	[tilespmem:s25], [sflag:$0x1] =	stream.indirect_vreg.gather [hbm4b:s3+s2], $0x80, v3, vm0, $0xb8;
	[tilespmem:$0x8400] =	vst v63  }
0x2b3: {  	v3 =	vld [tilespmem:$0x3E0];
	_ =	sdelay $0x4  }
0x2b4: {  	v62 =	vshll.u32 v3, $0x1  }
0x2b5: {  	v3 =	vand.u32 $0x7, v3;
	v4 =	vand.u32 $0xFFFFFFF0, v62  }
0x2b6: {  	v3 =	vor.u32 v3, v4  }
0x2b7: {  	v4 =	vperm.xlane v3, v0;
	_ =	sdelay $0x1  }
0x2b8: {  	v3 =	vperm.xlane v3, v2;
	v4 =	vadd.s32 v1, v4;
	_ =	sdelay $0x1  }
0x2b9: {  	v3 =	vadd.s32 v1, v3;
	_ =	sdelay $0x2  }
0x2ba: {  	[tilespmem:s26], [sflag:$0x1] =	stream.indirect_vreg.gather [hbm4b:s3+s2], $0x80, v4, vm0, $0xb8;
	[tilespmem:$0x8400] =	vst v63  }
0x2bb: {  	_ = 	snop  }
0x2bc: {  	[tilespmem:s28], [sflag:$0x1] =	stream.indirect_vreg.gather [hbm4b:s3+s2], $0x80, v3, vm0, $0xb8;
	[tilespmem:$0x8400] =	vst v63  }
0x2bd: {  	v3 =	vld [tilespmem:$0x3F0];
	_ =	sdelay $0x4  }
0x2be: {  	v63 =	vshll.u32 v3, $0x1  }
0x2bf: {  	v3 =	vand.u32 $0x7, v3;
	v4 =	vand.u32 $0xFFFFFFF0, v63  }
0x2c0: {  	v3 =	vor.u32 v3, v4  }
0x2c1: {  	v4 =	vperm.xlane v3, v0;
	_ =	sdelay $0x1  }
0x2c2: {  	v3 =	vperm.xlane v3, v2;
	v4 =	vadd.s32 v1, v4;
	_ =	sdelay $0x1  }
0x2c3: {  	v3 =	vadd.s32 v1, v3;
	_ =	sdelay $0x2  }
0x2c4: {  	[tilespmem:s29], [sflag:$0x1] =	stream.indirect_vreg.gather [hbm4b:s3+s2], $0x80, v4, vm0, $0xb8;
	[tilespmem:$0x8400] =	vst v63  }
0x2c5: {  	_ = 	snop  }
0x2c6: {  	[tilespmem:s30], [sflag:$0x1] =	stream.indirect_vreg.gather [hbm4b:s3+s2], $0x80, v3, vm0, $0xb8;
	[tilespmem:$0x8400] =	vst v63  }
0x2c7: {  	_ =	swait.ge [sflag:s31], $0x8000  }
0x2c8: {  	p0 =	sne.s32 s12, $0x1;
	[sflag:s31] =	ssyncset.done $0x0  }
.Ltmp0:
0x2c9: {  	[sflag:s31] =	ssyncadd.s32 $0xFFFF8000;
	(pc) =	sbr.rel @p0 .LBB2_1-.Ltmp0, $4  }
0x2ca: {  	[hbm4b:s11+s2] =	stream.linear.scatter [tilespmem:s14], [sflag:$0x2], $0x8000, $0x38;
	[tilespmem:$0x8400] =	vst v63  }
0x2cb: {  	_ =	swait.ge [sflag:s13], $0x8000  }
0x2cc: {  	[sflag:s13] =	ssyncset.done $0x0  }
0x2cd: {  	s12 =	sadd.s32 $0xFFFFFFFF, s12;
	[sflag:s13] =	ssyncadd.s32 $0xFFFF8000  }
0x2ce: {  	_ =	sfence.sel $0x180000  }
0x2cf: {  	[bflag:$0x0] =	sbarrier.arrive $0xFFFF  }
0x2d0: {  	_ =	strace $0x90000047  }
0x2d1: {  	[bflag:$0x2] =	sbarrier.arrive $0xFFFF  }
0x2d2: {  	p0 =	sne.s32 s1, $0x0;
	s0 =	rddreg [dreg:$0x2]  }
0x2d3: {  	s0 =	sadd.s32 @!p0 $0x100000, s0  }
0x2d4: {  	[sflag:s0] =	ssyncadd.tile.s32 @!p0 $0x1;
	_ =	shalt  }
.Lfunc_end2:
_tile_overlayer_lowered:
.L_overlay_start_2:
0x2d5: {  	(tag) =	ssettag $0x2  }
0x2d6: {  	s0 =	rddreg [dreg:$0x0];
	s2 =	stileid.u32  }
0x2d7: {  	s1 =	rddreg [dreg:$0x1];
	p0 =	sne.s32 s2, $0x0  }
0x2d8: {  	s3 =	rddreg [dreg:$0x2];
	[bflag:$0x3] =	sbarrier.arrive $0xFFFF;
	s2 =	simm.s32 @!p0 $0x1C02  }
0x2d9: {  	[timem:s3], [sflag:s2] =	dma.local @!p0 [hbm:s0], s1  }
0x2da: {  	s0 =	simm.s32 @!p0 $0x2  }
0x2db: {  	_ =	swait.ge @!p0 [sflag:s0], s1  }
0x2dc: {  	s1 =	ssub.s32 @!p0 $0x0, s1;
	[sflag:s0] =	ssyncset.done @!p0 $0x0  }
0x2dd: {  	[sflag:s0] =	ssyncadd.s32 @!p0 s1  }
0x2de: {  	[bflag:$0x3] =	sbarrier.arrive $0xFFFF  }
0x2df: {  	_ =	shalt  }

</sc_bundles>
